<compile_context>
chip_gen: v7x
topology: tpu7x:2x2x1
jax: 0.10.2.dev20260603
libtpu: 0.0.44.dev20260713+nightly
codegen_flags: <defaults>
</compile_context>

<pallas_src>
import functools

import jax
import jax.numpy as jnp
from jax import lax
from jax.experimental import pallas as pl
from jax.experimental.pallas import tpu as pltpu
from jax.experimental.pallas import tpu_sc as plsc

B_EDGE = 128
N_WORKERS = 32
N_SUB = 16


def _sc_mesh():
    return plsc.VectorSubcoreMesh(core_axis_name="c", subcore_axis_name="s")


def _make_cnt_kernel(np_rows, cmax, ca, cb, b_edge):
    rpt = np_rows // N_SUB

    @functools.partial(
        pl.kernel,
        mesh=_sc_mesh(),
        compiler_params=pltpu.CompilerParams(use_tc_tiling_on_sc=False),
        out_type=jax.ShapeDtypeStruct((2, np_rows, 16), jnp.float32),
        scratch_types=[
            pltpu.VMEM((cmax, b_edge), jnp.int32),
            pltpu.VMEM((b_edge, 16), jnp.float32),
            pltpu.VMEM_SHARED((np_rows, 16), jnp.float32),
        ],
    )
    def cnt_kernel(cols_hbm, ones_hbm, zeros_hbm, out_hbm, cols_v, ones_v, acc_s):
        c = lax.axis_index("c")
        s = lax.axis_index("s")
        wid = c * N_SUB + s
        nj = jnp.where(c == 0, ca, cb)
        pltpu.sync_copy(cols_hbm.at[wid], cols_v)
        pltpu.sync_copy(ones_hbm, ones_v)
        pltpu.sync_copy(zeros_hbm.at[pl.ds(s * rpt, rpt)],
                        acc_s.at[pl.ds(s * rpt, rpt)])
        plsc.subcore_barrier()

        def body(j, carry):
            pltpu.sync_copy(ones_v, acc_s.at[cols_v.at[j]], add=True)
            return carry

        lax.fori_loop(0, nj, body, 0)
        plsc.subcore_barrier()
        pltpu.sync_copy(acc_s.at[pl.ds(s * rpt, rpt)],
                        out_hbm.at[c, pl.ds(s * rpt, rpt)])

    return cnt_kernel


def _make_agg_kernel(np_rows, cmax, ca, cb, d, b_edge):
    rpt = np_rows // N_SUB
    params = (None if d % 128 == 0
              else pltpu.CompilerParams(use_tc_tiling_on_sc=False))

    @functools.partial(
        pl.kernel,
        mesh=_sc_mesh(),
        compiler_params=params,
        out_type=jax.ShapeDtypeStruct((2, np_rows, d), jnp.float32),
        scratch_types=[
            pltpu.VMEM((cmax, b_edge), jnp.int32),
            pltpu.VMEM((cmax, b_edge), jnp.int32),
            pltpu.VMEM((b_edge, d), jnp.float32),
            pltpu.VMEM_SHARED((np_rows, d), jnp.float32),
        ],
    )
    def agg_kernel(y_hbm, rows_hbm, cols_hbm, zeros_hbm, out_hbm,
                   rows_v, cols_v, buf_v, acc_s):
        c = lax.axis_index("c")
        s = lax.axis_index("s")
        wid = c * N_SUB + s
        nj = jnp.where(c == 0, ca, cb)

        pltpu.sync_copy(zeros_hbm.at[pl.ds(s * rpt, rpt)],
                        acc_s.at[pl.ds(s * rpt, rpt)])
        plsc.subcore_barrier()

        pltpu.sync_copy(rows_hbm.at[wid], rows_v)
        pltpu.sync_copy(cols_hbm.at[wid], cols_v)

        def chunk(j, carry):
            pltpu.sync_copy(y_hbm.at[rows_v.at[j]], buf_v)
            pltpu.sync_copy(buf_v, acc_s.at[cols_v.at[j]], add=True)
            return carry

        lax.fori_loop(0, nj, chunk, 0)

        plsc.subcore_barrier()
        pltpu.sync_copy(acc_s.at[pl.ds(s * rpt, rpt)],
                        out_hbm.at[c, pl.ds(s * rpt, rpt)])

    return agg_kernel


def _tc_scale_kernel(n, d_in, hid):

    def body(x_ref, w1_ref, cnt_ref, y1_ref, dinv_ref):
        cnt = cnt_ref[0, :n, 0:1] + cnt_ref[1, :n, 0:1]
        dinv = lax.rsqrt(cnt + 1.0)
        xw = jnp.dot(x_ref[...], w1_ref[...],
                     preferred_element_type=jnp.float32)
        y1_ref[...] = xw * dinv
        dinv_ref[...] = dinv

    return pl.pallas_call(
        body,
        out_shape=(
            jax.ShapeDtypeStruct((n, hid), jnp.float32),
            jax.ShapeDtypeStruct((n, 1), jnp.float32),
        ),
    )


def _tc_mid_kernel(n, hid, out_d):

    def body(acc_ref, y1_ref, dinv_ref, mask2_ref, w2_ref, b1_ref, y2_ref):
        a = acc_ref[0, :n, :] + acc_ref[1, :n, :] + y1_ref[...]
        g = a * dinv_ref[...] + b1_ref[...]
        h = jnp.maximum(g, 0.0) * mask2_ref[...]
        t = jnp.dot(h, w2_ref[...], preferred_element_type=jnp.float32)
        y2_ref[...] = t * dinv_ref[...]

    return pl.pallas_call(
        body,
        out_shape=jax.ShapeDtypeStruct((n, out_d), jnp.float32),
    )


def _tc_out_kernel(n, out_d):

    def body(acc_ref, y2_ref, dinv_ref, b2_ref, out_ref):
        a = acc_ref[0, :n, :] + acc_ref[1, :n, :] + y2_ref[...]
        out_ref[...] = a * dinv_ref[...] + b2_ref[...]

    return pl.pallas_call(
        body,
        out_shape=jax.ShapeDtypeStruct((n, out_d), jnp.float32),
    )


def kernel(x, edge_index, W1, b1, W2, b2):
    n, d_in = x.shape
    hid = W1.shape[1]
    out_d = W2.shape[1]
    e = edge_index.shape[1]

    np_rows = -(-(n + 1) // 128) * 128
    b = B_EDGE
    nch = -(-e // b)
    tot = -(-nch // N_SUB)
    ca = int(round(tot * 0.63))
    cb = tot - ca
    cmax = max(ca, cb)
    e2 = N_SUB * tot * b

    def _slab(v, fill):
        vf = jnp.concatenate(
            [v, jnp.full((e2 - e,), fill, jnp.int32)])
        p0 = vf[:N_SUB * ca * b].reshape(N_SUB, ca, b)
        p1 = vf[N_SUB * ca * b:].reshape(N_SUB, cb, b)
        p0 = jnp.pad(p0, ((0, 0), (0, cmax - ca), (0, 0)),
                     constant_values=fill)
        p1 = jnp.pad(p1, ((0, 0), (0, cmax - cb), (0, 0)),
                     constant_values=fill)
        return jnp.concatenate([p0, p1], axis=0)

    rows_p = _slab(edge_index[0].astype(jnp.int32), 0)
    cols_p = _slab(edge_index[1].astype(jnp.int32), n)

    ones16 = jnp.zeros((b, 16), jnp.float32).at[:, 0].set(1.0)
    z16 = jnp.zeros((np_rows, 16), jnp.float32)
    z_hid = jnp.zeros((np_rows, hid), jnp.float32)
    z_out = jnp.zeros((np_rows, out_d), jnp.float32)

    mask2 = jnp.where(
        jax.random.bernoulli(jax.random.key(42), 0.5, (n, hid)), 2.0, 0.0
    ).astype(jnp.float32)

    cnt = _make_cnt_kernel(np_rows, cmax, ca, cb, b)(cols_p, ones16, z16)
    y1, dinv = _tc_scale_kernel(n, d_in, hid)(x, W1, cnt)
    acc1 = _make_agg_kernel(np_rows, cmax, ca, cb, hid, b)(
        y1, rows_p, cols_p, z_hid)
    y2 = _tc_mid_kernel(n, hid, out_d)(
        acc1, y1, dinv, mask2, W2, b1.reshape(1, hid))
    acc2 = _make_agg_kernel(np_rows, cmax, ca, cb, out_d, b)(
        y2, rows_p, cols_p, z_out)
    out = _tc_out_kernel(n, out_d)(acc2, y2, dinv, b2.reshape(1, out_d))
    return out

# --- scband reference (transcript-rebuilt; emitter-appended) ---
"""Pipeline reference for scband-hyper-edge-conv-36807869726832 (READ-ONLY COPY).

The authoritative reference and input builder live on the scoring server;
editing this copy changes nothing except your own understanding.
"""

import jax, jax.numpy as jnp
import numpy as np

N = 10000
E = 320000
D_IN = 128
HID = 128
OUT = 40


def gcn_conv(x, edge_index, W, b, n_nodes):
    # GCNConv: out = D^{-1/2} (A + I) D^{-1/2} X W + b
    row = edge_index[0]
    col = edge_index[1]
    loop = jnp.arange(n_nodes, dtype=row.dtype)
    row = jnp.concatenate([row, loop])
    col = jnp.concatenate([col, loop])
    xw = x @ W
    deg = jnp.zeros((n_nodes,), xw.dtype).at[col].add(1.0)
    dinv = jnp.where(deg > 0, 1.0 / jnp.sqrt(deg), 0.0)
    norm = dinv[row] * dinv[col]
    msg = xw[row] * norm[:, None]
    out = jnp.zeros((n_nodes, xw.shape[1]), xw.dtype).at[col].add(msg)
    return out + b


def setup_inputs(seed: int = 0) -> dict:
    key = jax.random.key(seed)
    k1, k2, k3, k4 = jax.random.split(key, 4)
    x = jax.random.normal(k1, (N, D_IN), dtype=jnp.float32)
    edge_index = jax.random.randint(k2, (2, E), 0, N)
    W1 = jax.random.normal(k3, (D_IN, HID), dtype=jnp.float32) * (1.0 / np.sqrt(D_IN))
    b1 = jnp.zeros((HID,), dtype=jnp.float32)
    W2 = jax.random.normal(k4, (HID, OUT), dtype=jnp.float32) * (1.0 / np.sqrt(HID))
    b2 = jnp.zeros((OUT,), dtype=jnp.float32)
    return {"x": x, "edge_index": edge_index, "W1": W1, "b1": b1, "W2": W2, "b2": b2}


def reference(x, edge_index, W1, b1, W2, b2):
    h = gcn_conv(x, edge_index, W1, b1, N)
    h = jax.nn.relu(h)
    # dropout p=0.5, training=True -> deterministic fixed-key mask, inverted scaling
    mask = jax.random.bernoulli(jax.random.key(42), 0.5, h.shape)
    h = jnp.where(mask, h / 0.5, 0.0)
    out = gcn_conv(h, edge_index, W2, b2, N)
    return out

if __name__ == "__main__":
    import jax
    _d = setup_inputs()
    print(jax.jit(kernel)(*tuple(_d.values())))

</pallas_src>

<mosaic_0001>
#map = affine_map<(d0, d1) -> (0, 0)>
#map1 = affine_map<(d0, d1) -> (0, 0, 0)>
module attributes {stable_mosaic.version = 14 : i64} {
  func.func @agg_kernel(%arg0: i32, %arg1: i32, %arg2: memref<10000x40xf32, #tpu.memory_space<hbm>>, %arg3: memref<32x99x128xi32, #tpu.memory_space<hbm>>, %arg4: memref<32x99x128xi32, #tpu.memory_space<hbm>>, %arg5: memref<10112x40xf32, #tpu.memory_space<hbm>>, %arg6: memref<2x10112x40xf32, #tpu.memory_space<hbm>>, %arg7: memref<99x128xi32, #tpu.memory_space<vmem>>, %arg8: memref<99x128xi32, #tpu.memory_space<vmem>>, %arg9: memref<128x40xf32, #tpu.memory_space<vmem>>, %arg10: memref<10112x40xf32, #tpu.memory_space<vmem_shared>>) attributes {dimension_semantics = [#tpu.dimension_semantics<core_parallel>, #tpu.dimension_semantics<subcore_parallel>], iteration_bounds = array<i64: 2, 16>, scalar_prefetch = 0 : i64, scratch_operands = 4 : i64, tpu.core_type = #tpu.core_type<sc_vector_subcore>, window_params = [{transform_indices = #map}, {transform_indices = #map1}, {transform_indices = #map1}, {transform_indices = #map}, {transform_indices = #map1}]} {
    %mul3A = arith.constant 16 : i32
    %mul3A_0 = arith.muli %arg0, %mul3A : i32
    %add3A = arith.addi %mul3A_0, %arg1 : i32
    %eq3A = arith.constant 0 : i32
    %eq3A_1 = arith.cmpi eq, %arg0, %eq3A : i32
    %jit3A = arith.constant 99 : i32
    %jit3A_2 = arith.constant 58 : i32
    %select_n3A = arith.select %eq3A_1, %jit3A, %jit3A_2 : i32
    %mul3A_3 = arith.constant 632 : i32
    %mul3A_4 = arith.muli %arg1, %mul3A_3 : i32
    %mul3A_5 = arith.constant 632 : i32
    %mul3A_6 = arith.muli %arg1, %mul3A_5 : i32
    "tpu.region"() ({
      %run_scoped3A = tpu.sem_alloc : memref<!tpu.dma_semaphore, #tpu.memory_space<semaphore_mem>>
      %dma_start3A = arith.constant 0 : i32
      %dma_start3A_21 = tpu.memref_slice %arg10[%mul3A_6, %dma_start3A] : memref<10112x40xf32, #tpu.memory_space<vmem_shared>> -> memref<632x40xf32, #tpu.memory_space<vmem_shared>>
      %dma_start3A_22 = arith.constant 0 : i32
      %dma_start3A_23 = tpu.memref_slice %arg5[%mul3A_4, %dma_start3A_22] : memref<10112x40xf32, #tpu.memory_space<hbm>> -> memref<632x40xf32, #tpu.memory_space<hbm>>
      tpu.enqueue_dma source(%dma_start3A_23 : memref<632x40xf32, #tpu.memory_space<hbm>>) target(%dma_start3A_21 : memref<632x40xf32, #tpu.memory_space<vmem_shared>>) target_semaphore(%run_scoped3A : memref<!tpu.dma_semaphore, #tpu.memory_space<semaphore_mem>>)
      %dma_wait3A = arith.constant 0 : i32
      %dma_wait3A_24 = tpu.memref_slice %arg10[%mul3A_6, %dma_wait3A] : memref<10112x40xf32, #tpu.memory_space<vmem_shared>> -> memref<632x40xf32, #tpu.memory_space<vmem_shared>>
      %dma_wait3A_25 = arith.constant 0 : i32
      %dma_wait3A_26 = tpu.memref_slice %arg5[%mul3A_4, %dma_wait3A_25] : memref<10112x40xf32, #tpu.memory_space<hbm>> -> memref<632x40xf32, #tpu.memory_space<hbm>>
      tpu.wait_dma2 semaphore(%run_scoped3A : memref<!tpu.dma_semaphore, #tpu.memory_space<semaphore_mem>>) src(%dma_wait3A_26 : memref<632x40xf32, #tpu.memory_space<hbm>>) dst(%dma_wait3A_24 : memref<632x40xf32, #tpu.memory_space<vmem_shared>>)
      tpu.yield
    }) : () -> ()
    %barrier3A = arith.constant 0 : index
    tpu.barrier barrier_id(%barrier3A)
    "tpu.region"() ({
      %run_scoped3A = tpu.sem_alloc : memref<!tpu.dma_semaphore, #tpu.memory_space<semaphore_mem>>
      %dma_start3A = arith.constant 0 : i32
      %dma_start3A_21 = arith.constant 0 : i32
      %dma_start3A_22 = tpu.memref_slice %arg3[%add3A, %dma_start3A, %dma_start3A_21] : memref<32x99x128xi32, #tpu.memory_space<hbm>> -> memref<1x99x128xi32, #tpu.memory_space<hbm>>
      %dma_start3A_23 = tpu.memref_squeeze %dma_start3A_22 : memref<1x99x128xi32, #tpu.memory_space<hbm>> -> memref<99x128xi32, #tpu.memory_space<hbm>>
      %dma_start3A_24 = arith.constant 0 : i32
      %dma_start3A_25 = arith.constant 0 : i32
      %dma_start3A_26 = tpu.memref_slice %arg3[%add3A, %dma_start3A_24, %dma_start3A_25] : memref<32x99x128xi32, #tpu.memory_space<hbm>> -> memref<1x99x128xi32, #tpu.memory_space<hbm>>
      %dma_start3A_27 = tpu.memref_squeeze %dma_start3A_26 : memref<1x99x128xi32, #tpu.memory_space<hbm>> -> memref<99x128xi32, #tpu.memory_space<hbm>>
      tpu.enqueue_dma source(%dma_start3A_27 : memref<99x128xi32, #tpu.memory_space<hbm>>) target(%arg7 : memref<99x128xi32, #tpu.memory_space<vmem>>) target_semaphore(%run_scoped3A : memref<!tpu.dma_semaphore, #tpu.memory_space<semaphore_mem>>)
      %dma_wait3A = arith.constant 0 : i32
      %dma_wait3A_28 = arith.constant 0 : i32
      %dma_wait3A_29 = tpu.memref_slice %arg3[%add3A, %dma_wait3A, %dma_wait3A_28] : memref<32x99x128xi32, #tpu.memory_space<hbm>> -> memref<1x99x128xi32, #tpu.memory_space<hbm>>
      %dma_wait3A_30 = tpu.memref_squeeze %dma_wait3A_29 : memref<1x99x128xi32, #tpu.memory_space<hbm>> -> memref<99x128xi32, #tpu.memory_space<hbm>>
      %dma_wait3A_31 = arith.constant 0 : i32
      %dma_wait3A_32 = arith.constant 0 : i32
      %dma_wait3A_33 = tpu.memref_slice %arg3[%add3A, %dma_wait3A_31, %dma_wait3A_32] : memref<32x99x128xi32, #tpu.memory_space<hbm>> -> memref<1x99x128xi32, #tpu.memory_space<hbm>>
      %dma_wait3A_34 = tpu.memref_squeeze %dma_wait3A_33 : memref<1x99x128xi32, #tpu.memory_space<hbm>> -> memref<99x128xi32, #tpu.memory_space<hbm>>
      tpu.wait_dma2 semaphore(%run_scoped3A : memref<!tpu.dma_semaphore, #tpu.memory_space<semaphore_mem>>) src(%dma_wait3A_34 : memref<99x128xi32, #tpu.memory_space<hbm>>) dst(%arg7 : memref<99x128xi32, #tpu.memory_space<vmem>>)
      tpu.yield
    }) : () -> ()
    "tpu.region"() ({
      %run_scoped3A = tpu.sem_alloc : memref<!tpu.dma_semaphore, #tpu.memory_space<semaphore_mem>>
      %dma_start3A = arith.constant 0 : i32
      %dma_start3A_21 = arith.constant 0 : i32
      %dma_start3A_22 = tpu.memref_slice %arg4[%add3A, %dma_start3A, %dma_start3A_21] : memref<32x99x128xi32, #tpu.memory_space<hbm>> -> memref<1x99x128xi32, #tpu.memory_space<hbm>>
      %dma_start3A_23 = tpu.memref_squeeze %dma_start3A_22 : memref<1x99x128xi32, #tpu.memory_space<hbm>> -> memref<99x128xi32, #tpu.memory_space<hbm>>
      %dma_start3A_24 = arith.constant 0 : i32
      %dma_start3A_25 = arith.constant 0 : i32
      %dma_start3A_26 = tpu.memref_slice %arg4[%add3A, %dma_start3A_24, %dma_start3A_25] : memref<32x99x128xi32, #tpu.memory_space<hbm>> -> memref<1x99x128xi32, #tpu.memory_space<hbm>>
      %dma_start3A_27 = tpu.memref_squeeze %dma_start3A_26 : memref<1x99x128xi32, #tpu.memory_space<hbm>> -> memref<99x128xi32, #tpu.memory_space<hbm>>
      tpu.enqueue_dma source(%dma_start3A_27 : memref<99x128xi32, #tpu.memory_space<hbm>>) target(%arg8 : memref<99x128xi32, #tpu.memory_space<vmem>>) target_semaphore(%run_scoped3A : memref<!tpu.dma_semaphore, #tpu.memory_space<semaphore_mem>>)
      %dma_wait3A = arith.constant 0 : i32
      %dma_wait3A_28 = arith.constant 0 : i32
      %dma_wait3A_29 = tpu.memref_slice %arg4[%add3A, %dma_wait3A, %dma_wait3A_28] : memref<32x99x128xi32, #tpu.memory_space<hbm>> -> memref<1x99x128xi32, #tpu.memory_space<hbm>>
      %dma_wait3A_30 = tpu.memref_squeeze %dma_wait3A_29 : memref<1x99x128xi32, #tpu.memory_space<hbm>> -> memref<99x128xi32, #tpu.memory_space<hbm>>
      %dma_wait3A_31 = arith.constant 0 : i32
      %dma_wait3A_32 = arith.constant 0 : i32
      %dma_wait3A_33 = tpu.memref_slice %arg4[%add3A, %dma_wait3A_31, %dma_wait3A_32] : memref<32x99x128xi32, #tpu.memory_space<hbm>> -> memref<1x99x128xi32, #tpu.memory_space<hbm>>
      %dma_wait3A_34 = tpu.memref_squeeze %dma_wait3A_33 : memref<1x99x128xi32, #tpu.memory_space<hbm>> -> memref<99x128xi32, #tpu.memory_space<hbm>>
      tpu.wait_dma2 semaphore(%run_scoped3A : memref<!tpu.dma_semaphore, #tpu.memory_space<semaphore_mem>>) src(%dma_wait3A_34 : memref<99x128xi32, #tpu.memory_space<hbm>>) dst(%arg8 : memref<99x128xi32, #tpu.memory_space<vmem>>)
      tpu.yield
    }) : () -> ()
    %while3A = arith.constant 0 : i32
    %while3A_7 = arith.constant 0 : i32
    %while3A_8 = arith.subi %select_n3A, %while3A_7 : i32
    %while3A_9 = arith.addi %while3A_7, %while3A_8 : i32
    %while3A_10 = arith.constant 1 : i32
    %while3A_11 = arith.divsi %while3A_8, %while3A_10 : i32
    %while3A_12 = arith.muli %while3A_11, %while3A_10 : i32
    %while3A_13 = arith.addi %while3A_7, %while3A_12 : i32
    %while3A_14 = arith.constant 1 : i32
    scf.for %while3A_21 = %while3A_7 to %while3A_13 step %while3A_14  : i32 {
      "tpu.region"() ({
        %run_scoped3A = tpu.sem_alloc : memref<!tpu.dma_semaphore, #tpu.memory_space<semaphore_mem>>
        %dma_start3A = arith.constant 0 : i32
        %dma_start3A_22 = tpu.memref_slice %arg7[%while3A_21, %dma_start3A] : memref<99x128xi32, #tpu.memory_space<vmem>> -> memref<1x128xi32, #tpu.memory_space<vmem>>
        %dma_start3A_23 = tpu.memref_squeeze %dma_start3A_22 : memref<1x128xi32, #tpu.memory_space<vmem>> -> memref<128xi32, #tpu.memory_space<vmem>>
        %dma_start3A_24 = arith.constant 0 : i32
        %dma_start3A_25 = arith.constant 0 : i32
        %dma_start3A_26 = tpu.memref_slice %arg2[%dma_start3A_24, %dma_start3A_25] : memref<10000x40xf32, #tpu.memory_space<hbm>> -> memref<10000x40xf32, #tpu.memory_space<hbm>>
        tpu.enqueue_indirect_dma source(%dma_start3A_26 : memref<10000x40xf32, #tpu.memory_space<hbm>>) target(%arg9 : memref<128x40xf32, #tpu.memory_space<vmem>>) offsets(%dma_start3A_23 : memref<128xi32, #tpu.memory_space<vmem>>) semaphore(%run_scoped3A : memref<!tpu.dma_semaphore, #tpu.memory_space<semaphore_mem>>)
        %dma_wait3A = arith.constant 0 : i32
        %dma_wait3A_27 = tpu.memref_slice %arg7[%while3A_21, %dma_wait3A] : memref<99x128xi32, #tpu.memory_space<vmem>> -> memref<1x128xi32, #tpu.memory_space<vmem>>
        %dma_wait3A_28 = tpu.memref_squeeze %dma_wait3A_27 : memref<1x128xi32, #tpu.memory_space<vmem>> -> memref<128xi32, #tpu.memory_space<vmem>>
        %dma_wait3A_29 = arith.constant 0 : i32
        %dma_wait3A_30 = arith.constant 0 : i32
        %dma_wait3A_31 = tpu.memref_slice %arg2[%dma_wait3A_29, %dma_wait3A_30] : memref<10000x40xf32, #tpu.memory_space<hbm>> -> memref<10000x40xf32, #tpu.memory_space<hbm>>
        tpu.wait_indirect_dma semaphore(%run_scoped3A : memref<!tpu.dma_semaphore, #tpu.memory_space<semaphore_mem>>) src(%dma_wait3A_31 : memref<10000x40xf32, #tpu.memory_space<hbm>>) dst(%arg9 : memref<128x40xf32, #tpu.memory_space<vmem>>)
        tpu.yield
      }) : () -> ()
      "tpu.region"() ({
        %run_scoped3A = tpu.sem_alloc : memref<!tpu.dma_semaphore, #tpu.memory_space<semaphore_mem>>
        %dma_start3A = arith.constant 0 : i32
        %dma_start3A_22 = tpu.memref_slice %arg8[%while3A_21, %dma_start3A] : memref<99x128xi32, #tpu.memory_space<vmem>> -> memref<1x128xi32, #tpu.memory_space<vmem>>
        %dma_start3A_23 = tpu.memref_squeeze %dma_start3A_22 : memref<1x128xi32, #tpu.memory_space<vmem>> -> memref<128xi32, #tpu.memory_space<vmem>>
        %dma_start3A_24 = arith.constant 0 : i32
        %dma_start3A_25 = arith.constant 0 : i32
        %dma_start3A_26 = tpu.memref_slice %arg10[%dma_start3A_24, %dma_start3A_25] : memref<10112x40xf32, #tpu.memory_space<vmem_shared>> -> memref<10112x40xf32, #tpu.memory_space<vmem_shared>>
        tpu.enqueue_indirect_dma source(%arg9 : memref<128x40xf32, #tpu.memory_space<vmem>>) target(%dma_start3A_26 : memref<10112x40xf32, #tpu.memory_space<vmem_shared>>) offsets(%dma_start3A_23 : memref<128xi32, #tpu.memory_space<vmem>>) semaphore(%run_scoped3A : memref<!tpu.dma_semaphore, #tpu.memory_space<semaphore_mem>>) {add = true}
        %dma_wait3A = arith.constant 0 : i32
        %dma_wait3A_27 = tpu.memref_slice %arg8[%while3A_21, %dma_wait3A] : memref<99x128xi32, #tpu.memory_space<vmem>> -> memref<1x128xi32, #tpu.memory_space<vmem>>
        %dma_wait3A_28 = tpu.memref_squeeze %dma_wait3A_27 : memref<1x128xi32, #tpu.memory_space<vmem>> -> memref<128xi32, #tpu.memory_space<vmem>>
        %dma_wait3A_29 = arith.constant 0 : i32
        %dma_wait3A_30 = arith.constant 0 : i32
        %dma_wait3A_31 = tpu.memref_slice %arg10[%dma_wait3A_29, %dma_wait3A_30] : memref<10112x40xf32, #tpu.memory_space<vmem_shared>> -> memref<10112x40xf32, #tpu.memory_space<vmem_shared>>
        tpu.wait_indirect_dma semaphore(%run_scoped3A : memref<!tpu.dma_semaphore, #tpu.memory_space<semaphore_mem>>) src(%arg9 : memref<128x40xf32, #tpu.memory_space<vmem>>) dst(%dma_wait3A_31 : memref<10112x40xf32, #tpu.memory_space<vmem_shared>>)
        tpu.yield
      }) : () -> ()
    }
    %while3A_15 = arith.constant 1 : i32
    scf.for %while3A_21 = %while3A_13 to %while3A_9 step %while3A_15  : i32 {
      "tpu.region"() ({
        %run_scoped3A = tpu.sem_alloc : memref<!tpu.dma_semaphore, #tpu.memory_space<semaphore_mem>>
        %dma_start3A = arith.constant 0 : i32
        %dma_start3A_22 = tpu.memref_slice %arg7[%while3A_21, %dma_start3A] : memref<99x128xi32, #tpu.memory_space<vmem>> -> memref<1x128xi32, #tpu.memory_space<vmem>>
        %dma_start3A_23 = tpu.memref_squeeze %dma_start3A_22 : memref<1x128xi32, #tpu.memory_space<vmem>> -> memref<128xi32, #tpu.memory_space<vmem>>
        %dma_start3A_24 = arith.constant 0 : i32
        %dma_start3A_25 = arith.constant 0 : i32
        %dma_start3A_26 = tpu.memref_slice %arg2[%dma_start3A_24, %dma_start3A_25] : memref<10000x40xf32, #tpu.memory_space<hbm>> -> memref<10000x40xf32, #tpu.memory_space<hbm>>
        tpu.enqueue_indirect_dma source(%dma_start3A_26 : memref<10000x40xf32, #tpu.memory_space<hbm>>) target(%arg9 : memref<128x40xf32, #tpu.memory_space<vmem>>) offsets(%dma_start3A_23 : memref<128xi32, #tpu.memory_space<vmem>>) semaphore(%run_scoped3A : memref<!tpu.dma_semaphore, #tpu.memory_space<semaphore_mem>>)
        %dma_wait3A = arith.constant 0 : i32
        %dma_wait3A_27 = tpu.memref_slice %arg7[%while3A_21, %dma_wait3A] : memref<99x128xi32, #tpu.memory_space<vmem>> -> memref<1x128xi32, #tpu.memory_space<vmem>>
        %dma_wait3A_28 = tpu.memref_squeeze %dma_wait3A_27 : memref<1x128xi32, #tpu.memory_space<vmem>> -> memref<128xi32, #tpu.memory_space<vmem>>
        %dma_wait3A_29 = arith.constant 0 : i32
        %dma_wait3A_30 = arith.constant 0 : i32
        %dma_wait3A_31 = tpu.memref_slice %arg2[%dma_wait3A_29, %dma_wait3A_30] : memref<10000x40xf32, #tpu.memory_space<hbm>> -> memref<10000x40xf32, #tpu.memory_space<hbm>>
        tpu.wait_indirect_dma semaphore(%run_scoped3A : memref<!tpu.dma_semaphore, #tpu.memory_space<semaphore_mem>>) src(%dma_wait3A_31 : memref<10000x40xf32, #tpu.memory_space<hbm>>) dst(%arg9 : memref<128x40xf32, #tpu.memory_space<vmem>>)
        tpu.yield
      }) : () -> ()
      "tpu.region"() ({
        %run_scoped3A = tpu.sem_alloc : memref<!tpu.dma_semaphore, #tpu.memory_space<semaphore_mem>>
        %dma_start3A = arith.constant 0 : i32
        %dma_start3A_22 = tpu.memref_slice %arg8[%while3A_21, %dma_start3A] : memref<99x128xi32, #tpu.memory_space<vmem>> -> memref<1x128xi32, #tpu.memory_space<vmem>>
        %dma_start3A_23 = tpu.memref_squeeze %dma_start3A_22 : memref<1x128xi32, #tpu.memory_space<vmem>> -> memref<128xi32, #tpu.memory_space<vmem>>
        %dma_start3A_24 = arith.constant 0 : i32
        %dma_start3A_25 = arith.constant 0 : i32
        %dma_start3A_26 = tpu.memref_slice %arg10[%dma_start3A_24, %dma_start3A_25] : memref<10112x40xf32, #tpu.memory_space<vmem_shared>> -> memref<10112x40xf32, #tpu.memory_space<vmem_shared>>
        tpu.enqueue_indirect_dma source(%arg9 : memref<128x40xf32, #tpu.memory_space<vmem>>) target(%dma_start3A_26 : memref<10112x40xf32, #tpu.memory_space<vmem_shared>>) offsets(%dma_start3A_23 : memref<128xi32, #tpu.memory_space<vmem>>) semaphore(%run_scoped3A : memref<!tpu.dma_semaphore, #tpu.memory_space<semaphore_mem>>) {add = true}
        %dma_wait3A = arith.constant 0 : i32
        %dma_wait3A_27 = tpu.memref_slice %arg8[%while3A_21, %dma_wait3A] : memref<99x128xi32, #tpu.memory_space<vmem>> -> memref<1x128xi32, #tpu.memory_space<vmem>>
        %dma_wait3A_28 = tpu.memref_squeeze %dma_wait3A_27 : memref<1x128xi32, #tpu.memory_space<vmem>> -> memref<128xi32, #tpu.memory_space<vmem>>
        %dma_wait3A_29 = arith.constant 0 : i32
        %dma_wait3A_30 = arith.constant 0 : i32
        %dma_wait3A_31 = tpu.memref_slice %arg10[%dma_wait3A_29, %dma_wait3A_30] : memref<10112x40xf32, #tpu.memory_space<vmem_shared>> -> memref<10112x40xf32, #tpu.memory_space<vmem_shared>>
        tpu.wait_indirect_dma semaphore(%run_scoped3A : memref<!tpu.dma_semaphore, #tpu.memory_space<semaphore_mem>>) src(%arg9 : memref<128x40xf32, #tpu.memory_space<vmem>>) dst(%dma_wait3A_31 : memref<10112x40xf32, #tpu.memory_space<vmem_shared>>)
        tpu.yield
      }) : () -> ()
    }
    %barrier3A_16 = arith.constant 0 : index
    tpu.barrier barrier_id(%barrier3A_16)
    %mul3A_17 = arith.constant 632 : i32
    %mul3A_18 = arith.muli %arg1, %mul3A_17 : i32
    %mul3A_19 = arith.constant 632 : i32
    %mul3A_20 = arith.muli %arg1, %mul3A_19 : i32
    "tpu.region"() ({
      %run_scoped3A = tpu.sem_alloc : memref<!tpu.dma_semaphore, #tpu.memory_space<semaphore_mem>>
      %dma_start3A = arith.constant 0 : i32
      %dma_start3A_21 = tpu.memref_slice %arg6[%arg0, %mul3A_20, %dma_start3A] : memref<2x10112x40xf32, #tpu.memory_space<hbm>> -> memref<1x632x40xf32, #tpu.memory_space<hbm>>
      %dma_start3A_22 = tpu.memref_squeeze %dma_start3A_21 : memref<1x632x40xf32, #tpu.memory_space<hbm>> -> memref<632x40xf32, #tpu.memory_space<hbm>>
      %dma_start3A_23 = arith.constant 0 : i32
      %dma_start3A_24 = tpu.memref_slice %arg10[%mul3A_18, %dma_start3A_23] : memref<10112x40xf32, #tpu.memory_space<vmem_shared>> -> memref<632x40xf32, #tpu.memory_space<vmem_shared>>
      tpu.enqueue_dma source(%dma_start3A_24 : memref<632x40xf32, #tpu.memory_space<vmem_shared>>) target(%dma_start3A_22 : memref<632x40xf32, #tpu.memory_space<hbm>>) target_semaphore(%run_scoped3A : memref<!tpu.dma_semaphore, #tpu.memory_space<semaphore_mem>>)
      %dma_wait3A = arith.constant 0 : i32
      %dma_wait3A_25 = tpu.memref_slice %arg6[%arg0, %mul3A_20, %dma_wait3A] : memref<2x10112x40xf32, #tpu.memory_space<hbm>> -> memref<1x632x40xf32, #tpu.memory_space<hbm>>
      %dma_wait3A_26 = tpu.memref_squeeze %dma_wait3A_25 : memref<1x632x40xf32, #tpu.memory_space<hbm>> -> memref<632x40xf32, #tpu.memory_space<hbm>>
      %dma_wait3A_27 = arith.constant 0 : i32
      %dma_wait3A_28 = tpu.memref_slice %arg10[%mul3A_18, %dma_wait3A_27] : memref<10112x40xf32, #tpu.memory_space<vmem_shared>> -> memref<632x40xf32, #tpu.memory_space<vmem_shared>>
      tpu.wait_dma2 semaphore(%run_scoped3A : memref<!tpu.dma_semaphore, #tpu.memory_space<semaphore_mem>>) src(%dma_wait3A_28 : memref<632x40xf32, #tpu.memory_space<vmem_shared>>) dst(%dma_wait3A_26 : memref<632x40xf32, #tpu.memory_space<hbm>>)
      tpu.yield
    }) : () -> ()
    return
  }
}

#map = affine_map<(d0, d1) -> (0, 0, 0)>
#map1 = affine_map<(d0, d1) -> (0, 0)>
module attributes {stable_mosaic.version = 14 : i64} {
  func.func @cnt_kernel(%arg0: i32, %arg1: i32, %arg2: memref<32x99x128xi32, #tpu.memory_space<hbm>>, %arg3: memref<128x16xf32, #tpu.memory_space<hbm>>, %arg4: memref<10112x16xf32, #tpu.memory_space<hbm>>, %arg5: memref<2x10112x16xf32, #tpu.memory_space<hbm>>, %arg6: memref<99x128xi32, #tpu.memory_space<vmem>>, %arg7: memref<128x16xf32, #tpu.memory_space<vmem>>, %arg8: memref<10112x16xf32, #tpu.memory_space<vmem_shared>>) attributes {dimension_semantics = [#tpu.dimension_semantics<core_parallel>, #tpu.dimension_semantics<subcore_parallel>], iteration_bounds = array<i64: 2, 16>, scalar_prefetch = 0 : i64, scratch_operands = 3 : i64, tpu.core_type = #tpu.core_type<sc_vector_subcore>, window_params = [{transform_indices = #map}, {transform_indices = #map1}, {transform_indices = #map1}, {transform_indices = #map}]} {
    %mul3A = arith.constant 16 : i32
    %mul3A_0 = arith.muli %arg0, %mul3A : i32
    %add3A = arith.addi %mul3A_0, %arg1 : i32
    %eq3A = arith.constant 0 : i32
    %eq3A_1 = arith.cmpi eq, %arg0, %eq3A : i32
    %jit3A = arith.constant 99 : i32
    %jit3A_2 = arith.constant 58 : i32
    %select_n3A = arith.select %eq3A_1, %jit3A, %jit3A_2 : i32
    "tpu.region"() ({
      %run_scoped3A = tpu.sem_alloc : memref<!tpu.dma_semaphore, #tpu.memory_space<semaphore_mem>>
      %dma_start3A = arith.constant 0 : i32
      %dma_start3A_21 = arith.constant 0 : i32
      %dma_start3A_22 = tpu.memref_slice %arg2[%add3A, %dma_start3A, %dma_start3A_21] : memref<32x99x128xi32, #tpu.memory_space<hbm>> -> memref<1x99x128xi32, #tpu.memory_space<hbm>>
      %dma_start3A_23 = tpu.memref_squeeze %dma_start3A_22 : memref<1x99x128xi32, #tpu.memory_space<hbm>> -> memref<99x128xi32, #tpu.memory_space<hbm>>
      %dma_start3A_24 = arith.constant 0 : i32
      %dma_start3A_25 = arith.constant 0 : i32
      %dma_start3A_26 = tpu.memref_slice %arg2[%add3A, %dma_start3A_24, %dma_start3A_25] : memref<32x99x128xi32, #tpu.memory_space<hbm>> -> memref<1x99x128xi32, #tpu.memory_space<hbm>>
      %dma_start3A_27 = tpu.memref_squeeze %dma_start3A_26 : memref<1x99x128xi32, #tpu.memory_space<hbm>> -> memref<99x128xi32, #tpu.memory_space<hbm>>
      tpu.enqueue_dma source(%dma_start3A_27 : memref<99x128xi32, #tpu.memory_space<hbm>>) target(%arg6 : memref<99x128xi32, #tpu.memory_space<vmem>>) target_semaphore(%run_scoped3A : memref<!tpu.dma_semaphore, #tpu.memory_space<semaphore_mem>>)
      %dma_wait3A = arith.constant 0 : i32
      %dma_wait3A_28 = arith.constant 0 : i32
      %dma_wait3A_29 = tpu.memref_slice %arg2[%add3A, %dma_wait3A, %dma_wait3A_28] : memref<32x99x128xi32, #tpu.memory_space<hbm>> -> memref<1x99x128xi32, #tpu.memory_space<hbm>>
      %dma_wait3A_30 = tpu.memref_squeeze %dma_wait3A_29 : memref<1x99x128xi32, #tpu.memory_space<hbm>> -> memref<99x128xi32, #tpu.memory_space<hbm>>
      %dma_wait3A_31 = arith.constant 0 : i32
      %dma_wait3A_32 = arith.constant 0 : i32
      %dma_wait3A_33 = tpu.memref_slice %arg2[%add3A, %dma_wait3A_31, %dma_wait3A_32] : memref<32x99x128xi32, #tpu.memory_space<hbm>> -> memref<1x99x128xi32, #tpu.memory_space<hbm>>
      %dma_wait3A_34 = tpu.memref_squeeze %dma_wait3A_33 : memref<1x99x128xi32, #tpu.memory_space<hbm>> -> memref<99x128xi32, #tpu.memory_space<hbm>>
      tpu.wait_dma2 semaphore(%run_scoped3A : memref<!tpu.dma_semaphore, #tpu.memory_space<semaphore_mem>>) src(%dma_wait3A_34 : memref<99x128xi32, #tpu.memory_space<hbm>>) dst(%arg6 : memref<99x128xi32, #tpu.memory_space<vmem>>)
      tpu.yield
    }) : () -> ()
    "tpu.region"() ({
      %run_scoped3A = tpu.sem_alloc : memref<!tpu.dma_semaphore, #tpu.memory_space<semaphore_mem>>
      tpu.enqueue_dma source(%arg3 : memref<128x16xf32, #tpu.memory_space<hbm>>) target(%arg7 : memref<128x16xf32, #tpu.memory_space<vmem>>) target_semaphore(%run_scoped3A : memref<!tpu.dma_semaphore, #tpu.memory_space<semaphore_mem>>)
      tpu.wait_dma2 semaphore(%run_scoped3A : memref<!tpu.dma_semaphore, #tpu.memory_space<semaphore_mem>>) src(%arg3 : memref<128x16xf32, #tpu.memory_space<hbm>>) dst(%arg7 : memref<128x16xf32, #tpu.memory_space<vmem>>)
      tpu.yield
    }) : () -> ()
    %mul3A_3 = arith.constant 632 : i32
    %mul3A_4 = arith.muli %arg1, %mul3A_3 : i32
    %mul3A_5 = arith.constant 632 : i32
    %mul3A_6 = arith.muli %arg1, %mul3A_5 : i32
    "tpu.region"() ({
      %run_scoped3A = tpu.sem_alloc : memref<!tpu.dma_semaphore, #tpu.memory_space<semaphore_mem>>
      %dma_start3A = arith.constant 0 : i32
      %dma_start3A_21 = tpu.memref_slice %arg8[%mul3A_6, %dma_start3A] : memref<10112x16xf32, #tpu.memory_space<vmem_shared>> -> memref<632x16xf32, #tpu.memory_space<vmem_shared>>
      %dma_start3A_22 = arith.constant 0 : i32
      %dma_start3A_23 = tpu.memref_slice %arg4[%mul3A_4, %dma_start3A_22] : memref<10112x16xf32, #tpu.memory_space<hbm>> -> memref<632x16xf32, #tpu.memory_space<hbm>>
      tpu.enqueue_dma source(%dma_start3A_23 : memref<632x16xf32, #tpu.memory_space<hbm>>) target(%dma_start3A_21 : memref<632x16xf32, #tpu.memory_space<vmem_shared>>) target_semaphore(%run_scoped3A : memref<!tpu.dma_semaphore, #tpu.memory_space<semaphore_mem>>)
      %dma_wait3A = arith.constant 0 : i32
      %dma_wait3A_24 = tpu.memref_slice %arg8[%mul3A_6, %dma_wait3A] : memref<10112x16xf32, #tpu.memory_space<vmem_shared>> -> memref<632x16xf32, #tpu.memory_space<vmem_shared>>
      %dma_wait3A_25 = arith.constant 0 : i32
      %dma_wait3A_26 = tpu.memref_slice %arg4[%mul3A_4, %dma_wait3A_25] : memref<10112x16xf32, #tpu.memory_space<hbm>> -> memref<632x16xf32, #tpu.memory_space<hbm>>
      tpu.wait_dma2 semaphore(%run_scoped3A : memref<!tpu.dma_semaphore, #tpu.memory_space<semaphore_mem>>) src(%dma_wait3A_26 : memref<632x16xf32, #tpu.memory_space<hbm>>) dst(%dma_wait3A_24 : memref<632x16xf32, #tpu.memory_space<vmem_shared>>)
      tpu.yield
    }) : () -> ()
    %barrier3A = arith.constant 0 : index
    tpu.barrier barrier_id(%barrier3A)
    %while3A = arith.constant 0 : i32
    %while3A_7 = arith.constant 0 : i32
    %while3A_8 = arith.subi %select_n3A, %while3A_7 : i32
    %while3A_9 = arith.addi %while3A_7, %while3A_8 : i32
    %while3A_10 = arith.constant 1 : i32
    %while3A_11 = arith.divsi %while3A_8, %while3A_10 : i32
    %while3A_12 = arith.muli %while3A_11, %while3A_10 : i32
    %while3A_13 = arith.addi %while3A_7, %while3A_12 : i32
    %while3A_14 = arith.constant 1 : i32
    scf.for %while3A_21 = %while3A_7 to %while3A_13 step %while3A_14  : i32 {
      "tpu.region"() ({
        %run_scoped3A = tpu.sem_alloc : memref<!tpu.dma_semaphore, #tpu.memory_space<semaphore_mem>>
        %dma_start3A = arith.constant 0 : i32
        %dma_start3A_22 = tpu.memref_slice %arg6[%while3A_21, %dma_start3A] : memref<99x128xi32, #tpu.memory_space<vmem>> -> memref<1x128xi32, #tpu.memory_space<vmem>>
        %dma_start3A_23 = tpu.memref_squeeze %dma_start3A_22 : memref<1x128xi32, #tpu.memory_space<vmem>> -> memref<128xi32, #tpu.memory_space<vmem>>
        %dma_start3A_24 = arith.constant 0 : i32
        %dma_start3A_25 = arith.constant 0 : i32
        %dma_start3A_26 = tpu.memref_slice %arg8[%dma_start3A_24, %dma_start3A_25] : memref<10112x16xf32, #tpu.memory_space<vmem_shared>> -> memref<10112x16xf32, #tpu.memory_space<vmem_shared>>
        tpu.enqueue_indirect_dma source(%arg7 : memref<128x16xf32, #tpu.memory_space<vmem>>) target(%dma_start3A_26 : memref<10112x16xf32, #tpu.memory_space<vmem_shared>>) offsets(%dma_start3A_23 : memref<128xi32, #tpu.memory_space<vmem>>) semaphore(%run_scoped3A : memref<!tpu.dma_semaphore, #tpu.memory_space<semaphore_mem>>) {add = true}
        %dma_wait3A = arith.constant 0 : i32
        %dma_wait3A_27 = tpu.memref_slice %arg6[%while3A_21, %dma_wait3A] : memref<99x128xi32, #tpu.memory_space<vmem>> -> memref<1x128xi32, #tpu.memory_space<vmem>>
        %dma_wait3A_28 = tpu.memref_squeeze %dma_wait3A_27 : memref<1x128xi32, #tpu.memory_space<vmem>> -> memref<128xi32, #tpu.memory_space<vmem>>
        %dma_wait3A_29 = arith.constant 0 : i32
        %dma_wait3A_30 = arith.constant 0 : i32
        %dma_wait3A_31 = tpu.memref_slice %arg8[%dma_wait3A_29, %dma_wait3A_30] : memref<10112x16xf32, #tpu.memory_space<vmem_shared>> -> memref<10112x16xf32, #tpu.memory_space<vmem_shared>>
        tpu.wait_indirect_dma semaphore(%run_scoped3A : memref<!tpu.dma_semaphore, #tpu.memory_space<semaphore_mem>>) src(%arg7 : memref<128x16xf32, #tpu.memory_space<vmem>>) dst(%dma_wait3A_31 : memref<10112x16xf32, #tpu.memory_space<vmem_shared>>)
        tpu.yield
      }) : () -> ()
    }
    %while3A_15 = arith.constant 1 : i32
    scf.for %while3A_21 = %while3A_13 to %while3A_9 step %while3A_15  : i32 {
      "tpu.region"() ({
        %run_scoped3A = tpu.sem_alloc : memref<!tpu.dma_semaphore, #tpu.memory_space<semaphore_mem>>
        %dma_start3A = arith.constant 0 : i32
        %dma_start3A_22 = tpu.memref_slice %arg6[%while3A_21, %dma_start3A] : memref<99x128xi32, #tpu.memory_space<vmem>> -> memref<1x128xi32, #tpu.memory_space<vmem>>
        %dma_start3A_23 = tpu.memref_squeeze %dma_start3A_22 : memref<1x128xi32, #tpu.memory_space<vmem>> -> memref<128xi32, #tpu.memory_space<vmem>>
        %dma_start3A_24 = arith.constant 0 : i32
        %dma_start3A_25 = arith.constant 0 : i32
        %dma_start3A_26 = tpu.memref_slice %arg8[%dma_start3A_24, %dma_start3A_25] : memref<10112x16xf32, #tpu.memory_space<vmem_shared>> -> memref<10112x16xf32, #tpu.memory_space<vmem_shared>>
        tpu.enqueue_indirect_dma source(%arg7 : memref<128x16xf32, #tpu.memory_space<vmem>>) target(%dma_start3A_26 : memref<10112x16xf32, #tpu.memory_space<vmem_shared>>) offsets(%dma_start3A_23 : memref<128xi32, #tpu.memory_space<vmem>>) semaphore(%run_scoped3A : memref<!tpu.dma_semaphore, #tpu.memory_space<semaphore_mem>>) {add = true}
        %dma_wait3A = arith.constant 0 : i32
        %dma_wait3A_27 = tpu.memref_slice %arg6[%while3A_21, %dma_wait3A] : memref<99x128xi32, #tpu.memory_space<vmem>> -> memref<1x128xi32, #tpu.memory_space<vmem>>
        %dma_wait3A_28 = tpu.memref_squeeze %dma_wait3A_27 : memref<1x128xi32, #tpu.memory_space<vmem>> -> memref<128xi32, #tpu.memory_space<vmem>>
        %dma_wait3A_29 = arith.constant 0 : i32
        %dma_wait3A_30 = arith.constant 0 : i32
        %dma_wait3A_31 = tpu.memref_slice %arg8[%dma_wait3A_29, %dma_wait3A_30] : memref<10112x16xf32, #tpu.memory_space<vmem_shared>> -> memref<10112x16xf32, #tpu.memory_space<vmem_shared>>
        tpu.wait_indirect_dma semaphore(%run_scoped3A : memref<!tpu.dma_semaphore, #tpu.memory_space<semaphore_mem>>) src(%arg7 : memref<128x16xf32, #tpu.memory_space<vmem>>) dst(%dma_wait3A_31 : memref<10112x16xf32, #tpu.memory_space<vmem_shared>>)
        tpu.yield
      }) : () -> ()
    }
    %barrier3A_16 = arith.constant 0 : index
    tpu.barrier barrier_id(%barrier3A_16)
    %mul3A_17 = arith.constant 632 : i32
    %mul3A_18 = arith.muli %arg1, %mul3A_17 : i32
    %mul3A_19 = arith.constant 632 : i32
    %mul3A_20 = arith.muli %arg1, %mul3A_19 : i32
    "tpu.region"() ({
      %run_scoped3A = tpu.sem_alloc : memref<!tpu.dma_semaphore, #tpu.memory_space<semaphore_mem>>
      %dma_start3A = arith.constant 0 : i32
      %dma_start3A_21 = tpu.memref_slice %arg5[%arg0, %mul3A_20, %dma_start3A] : memref<2x10112x16xf32, #tpu.memory_space<hbm>> -> memref<1x632x16xf32, #tpu.memory_space<hbm>>
      %dma_start3A_22 = tpu.memref_squeeze %dma_start3A_21 : memref<1x632x16xf32, #tpu.memory_space<hbm>> -> memref<632x16xf32, #tpu.memory_space<hbm>>
      %dma_start3A_23 = arith.constant 0 : i32
      %dma_start3A_24 = tpu.memref_slice %arg8[%mul3A_18, %dma_start3A_23] : memref<10112x16xf32, #tpu.memory_space<vmem_shared>> -> memref<632x16xf32, #tpu.memory_space<vmem_shared>>
      tpu.enqueue_dma source(%dma_start3A_24 : memref<632x16xf32, #tpu.memory_space<vmem_shared>>) target(%dma_start3A_22 : memref<632x16xf32, #tpu.memory_space<hbm>>) target_semaphore(%run_scoped3A : memref<!tpu.dma_semaphore, #tpu.memory_space<semaphore_mem>>)
      %dma_wait3A = arith.constant 0 : i32
      %dma_wait3A_25 = tpu.memref_slice %arg5[%arg0, %mul3A_20, %dma_wait3A] : memref<2x10112x16xf32, #tpu.memory_space<hbm>> -> memref<1x632x16xf32, #tpu.memory_space<hbm>>
      %dma_wait3A_26 = tpu.memref_squeeze %dma_wait3A_25 : memref<1x632x16xf32, #tpu.memory_space<hbm>> -> memref<632x16xf32, #tpu.memory_space<hbm>>
      %dma_wait3A_27 = arith.constant 0 : i32
      %dma_wait3A_28 = tpu.memref_slice %arg8[%mul3A_18, %dma_wait3A_27] : memref<10112x16xf32, #tpu.memory_space<vmem_shared>> -> memref<632x16xf32, #tpu.memory_space<vmem_shared>>
      tpu.wait_dma2 semaphore(%run_scoped3A : memref<!tpu.dma_semaphore, #tpu.memory_space<semaphore_mem>>) src(%dma_wait3A_28 : memref<632x16xf32, #tpu.memory_space<vmem_shared>>) dst(%dma_wait3A_26 : memref<632x16xf32, #tpu.memory_space<hbm>>)
      tpu.yield
    }) : () -> ()
    return
  }
}

#map = affine_map<(d0, d1) -> (0, 0)>
#map1 = affine_map<(d0, d1) -> (0, 0, 0)>
module attributes {stable_mosaic.version = 14 : i64} {
  func.func @agg_kernel(%arg0: i32, %arg1: i32, %arg2: memref<10000x128xf32, #tpu.memory_space<hbm>>, %arg3: memref<32x99x128xi32, #tpu.memory_space<hbm>>, %arg4: memref<32x99x128xi32, #tpu.memory_space<hbm>>, %arg5: memref<10112x128xf32, #tpu.memory_space<hbm>>, %arg6: memref<2x10112x128xf32, #tpu.memory_space<hbm>>, %arg7: memref<99x128xi32, #tpu.memory_space<vmem>>, %arg8: memref<99x128xi32, #tpu.memory_space<vmem>>, %arg9: memref<128x128xf32, #tpu.memory_space<vmem>>, %arg10: memref<10112x128xf32, #tpu.memory_space<vmem_shared>>) attributes {dimension_semantics = [#tpu.dimension_semantics<core_parallel>, #tpu.dimension_semantics<subcore_parallel>], iteration_bounds = array<i64: 2, 16>, scalar_prefetch = 0 : i64, scratch_operands = 4 : i64, tpu.core_type = #tpu.core_type<sc_vector_subcore>, window_params = [{transform_indices = #map}, {transform_indices = #map1}, {transform_indices = #map1}, {transform_indices = #map}, {transform_indices = #map1}]} {
    %mul3A = arith.constant 16 : i32
    %mul3A_0 = arith.muli %arg0, %mul3A : i32
    %add3A = arith.addi %mul3A_0, %arg1 : i32
    %eq3A = arith.constant 0 : i32
    %eq3A_1 = arith.cmpi eq, %arg0, %eq3A : i32
    %jit3A = arith.constant 99 : i32
    %jit3A_2 = arith.constant 58 : i32
    %select_n3A = arith.select %eq3A_1, %jit3A, %jit3A_2 : i32
    %mul3A_3 = arith.constant 632 : i32
    %mul3A_4 = arith.muli %arg1, %mul3A_3 : i32
    %mul3A_5 = arith.constant 632 : i32
    %mul3A_6 = arith.muli %arg1, %mul3A_5 : i32
    "tpu.region"() ({
      %run_scoped3A = tpu.sem_alloc : memref<!tpu.dma_semaphore, #tpu.memory_space<semaphore_mem>>
      %dma_start3A = arith.constant 0 : i32
      %dma_start3A_21 = tpu.memref_slice %arg10[%mul3A_6, %dma_start3A] : memref<10112x128xf32, #tpu.memory_space<vmem_shared>> -> memref<632x128xf32, #tpu.memory_space<vmem_shared>>
      %dma_start3A_22 = arith.constant 0 : i32
      %dma_start3A_23 = tpu.memref_slice %arg5[%mul3A_4, %dma_start3A_22] : memref<10112x128xf32, #tpu.memory_space<hbm>> -> memref<632x128xf32, #tpu.memory_space<hbm>>
      tpu.enqueue_dma source(%dma_start3A_23 : memref<632x128xf32, #tpu.memory_space<hbm>>) target(%dma_start3A_21 : memref<632x128xf32, #tpu.memory_space<vmem_shared>>) target_semaphore(%run_scoped3A : memref<!tpu.dma_semaphore, #tpu.memory_space<semaphore_mem>>)
      %dma_wait3A = arith.constant 0 : i32
      %dma_wait3A_24 = tpu.memref_slice %arg10[%mul3A_6, %dma_wait3A] : memref<10112x128xf32, #tpu.memory_space<vmem_shared>> -> memref<632x128xf32, #tpu.memory_space<vmem_shared>>
      %dma_wait3A_25 = arith.constant 0 : i32
      %dma_wait3A_26 = tpu.memref_slice %arg5[%mul3A_4, %dma_wait3A_25] : memref<10112x128xf32, #tpu.memory_space<hbm>> -> memref<632x128xf32, #tpu.memory_space<hbm>>
      tpu.wait_dma2 semaphore(%run_scoped3A : memref<!tpu.dma_semaphore, #tpu.memory_space<semaphore_mem>>) src(%dma_wait3A_26 : memref<632x128xf32, #tpu.memory_space<hbm>>) dst(%dma_wait3A_24 : memref<632x128xf32, #tpu.memory_space<vmem_shared>>)
      tpu.yield
    }) : () -> ()
    %barrier3A = arith.constant 0 : index
    tpu.barrier barrier_id(%barrier3A)
    "tpu.region"() ({
      %run_scoped3A = tpu.sem_alloc : memref<!tpu.dma_semaphore, #tpu.memory_space<semaphore_mem>>
      %dma_start3A = arith.constant 0 : i32
      %dma_start3A_21 = arith.constant 0 : i32
      %dma_start3A_22 = tpu.memref_slice %arg3[%add3A, %dma_start3A, %dma_start3A_21] : memref<32x99x128xi32, #tpu.memory_space<hbm>> -> memref<1x99x128xi32, #tpu.memory_space<hbm>>
      %dma_start3A_23 = tpu.memref_squeeze %dma_start3A_22 : memref<1x99x128xi32, #tpu.memory_space<hbm>> -> memref<99x128xi32, #tpu.memory_space<hbm>>
      %dma_start3A_24 = arith.constant 0 : i32
      %dma_start3A_25 = arith.constant 0 : i32
      %dma_start3A_26 = tpu.memref_slice %arg3[%add3A, %dma_start3A_24, %dma_start3A_25] : memref<32x99x128xi32, #tpu.memory_space<hbm>> -> memref<1x99x128xi32, #tpu.memory_space<hbm>>
      %dma_start3A_27 = tpu.memref_squeeze %dma_start3A_26 : memref<1x99x128xi32, #tpu.memory_space<hbm>> -> memref<99x128xi32, #tpu.memory_space<hbm>>
      tpu.enqueue_dma source(%dma_start3A_27 : memref<99x128xi32, #tpu.memory_space<hbm>>) target(%arg7 : memref<99x128xi32, #tpu.memory_space<vmem>>) target_semaphore(%run_scoped3A : memref<!tpu.dma_semaphore, #tpu.memory_space<semaphore_mem>>)
      %dma_wait3A = arith.constant 0 : i32
      %dma_wait3A_28 = arith.constant 0 : i32
      %dma_wait3A_29 = tpu.memref_slice %arg3[%add3A, %dma_wait3A, %dma_wait3A_28] : memref<32x99x128xi32, #tpu.memory_space<hbm>> -> memref<1x99x128xi32, #tpu.memory_space<hbm>>
      %dma_wait3A_30 = tpu.memref_squeeze %dma_wait3A_29 : memref<1x99x128xi32, #tpu.memory_space<hbm>> -> memref<99x128xi32, #tpu.memory_space<hbm>>
      %dma_wait3A_31 = arith.constant 0 : i32
      %dma_wait3A_32 = arith.constant 0 : i32
      %dma_wait3A_33 = tpu.memref_slice %arg3[%add3A, %dma_wait3A_31, %dma_wait3A_32] : memref<32x99x128xi32, #tpu.memory_space<hbm>> -> memref<1x99x128xi32, #tpu.memory_space<hbm>>
      %dma_wait3A_34 = tpu.memref_squeeze %dma_wait3A_33 : memref<1x99x128xi32, #tpu.memory_space<hbm>> -> memref<99x128xi32, #tpu.memory_space<hbm>>
      tpu.wait_dma2 semaphore(%run_scoped3A : memref<!tpu.dma_semaphore, #tpu.memory_space<semaphore_mem>>) src(%dma_wait3A_34 : memref<99x128xi32, #tpu.memory_space<hbm>>) dst(%arg7 : memref<99x128xi32, #tpu.memory_space<vmem>>)
      tpu.yield
    }) : () -> ()
    "tpu.region"() ({
      %run_scoped3A = tpu.sem_alloc : memref<!tpu.dma_semaphore, #tpu.memory_space<semaphore_mem>>
      %dma_start3A = arith.constant 0 : i32
      %dma_start3A_21 = arith.constant 0 : i32
      %dma_start3A_22 = tpu.memref_slice %arg4[%add3A, %dma_start3A, %dma_start3A_21] : memref<32x99x128xi32, #tpu.memory_space<hbm>> -> memref<1x99x128xi32, #tpu.memory_space<hbm>>
      %dma_start3A_23 = tpu.memref_squeeze %dma_start3A_22 : memref<1x99x128xi32, #tpu.memory_space<hbm>> -> memref<99x128xi32, #tpu.memory_space<hbm>>
      %dma_start3A_24 = arith.constant 0 : i32
      %dma_start3A_25 = arith.constant 0 : i32
      %dma_start3A_26 = tpu.memref_slice %arg4[%add3A, %dma_start3A_24, %dma_start3A_25] : memref<32x99x128xi32, #tpu.memory_space<hbm>> -> memref<1x99x128xi32, #tpu.memory_space<hbm>>
      %dma_start3A_27 = tpu.memref_squeeze %dma_start3A_26 : memref<1x99x128xi32, #tpu.memory_space<hbm>> -> memref<99x128xi32, #tpu.memory_space<hbm>>
      tpu.enqueue_dma source(%dma_start3A_27 : memref<99x128xi32, #tpu.memory_space<hbm>>) target(%arg8 : memref<99x128xi32, #tpu.memory_space<vmem>>) target_semaphore(%run_scoped3A : memref<!tpu.dma_semaphore, #tpu.memory_space<semaphore_mem>>)
      %dma_wait3A = arith.constant 0 : i32
      %dma_wait3A_28 = arith.constant 0 : i32
      %dma_wait3A_29 = tpu.memref_slice %arg4[%add3A, %dma_wait3A, %dma_wait3A_28] : memref<32x99x128xi32, #tpu.memory_space<hbm>> -> memref<1x99x128xi32, #tpu.memory_space<hbm>>
      %dma_wait3A_30 = tpu.memref_squeeze %dma_wait3A_29 : memref<1x99x128xi32, #tpu.memory_space<hbm>> -> memref<99x128xi32, #tpu.memory_space<hbm>>
      %dma_wait3A_31 = arith.constant 0 : i32
      %dma_wait3A_32 = arith.constant 0 : i32
      %dma_wait3A_33 = tpu.memref_slice %arg4[%add3A, %dma_wait3A_31, %dma_wait3A_32] : memref<32x99x128xi32, #tpu.memory_space<hbm>> -> memref<1x99x128xi32, #tpu.memory_space<hbm>>
      %dma_wait3A_34 = tpu.memref_squeeze %dma_wait3A_33 : memref<1x99x128xi32, #tpu.memory_space<hbm>> -> memref<99x128xi32, #tpu.memory_space<hbm>>
      tpu.wait_dma2 semaphore(%run_scoped3A : memref<!tpu.dma_semaphore, #tpu.memory_space<semaphore_mem>>) src(%dma_wait3A_34 : memref<99x128xi32, #tpu.memory_space<hbm>>) dst(%arg8 : memref<99x128xi32, #tpu.memory_space<vmem>>)
      tpu.yield
    }) : () -> ()
    %while3A = arith.constant 0 : i32
    %while3A_7 = arith.constant 0 : i32
    %while3A_8 = arith.subi %select_n3A, %while3A_7 : i32
    %while3A_9 = arith.addi %while3A_7, %while3A_8 : i32
    %while3A_10 = arith.constant 1 : i32
    %while3A_11 = arith.divsi %while3A_8, %while3A_10 : i32
    %while3A_12 = arith.muli %while3A_11, %while3A_10 : i32
    %while3A_13 = arith.addi %while3A_7, %while3A_12 : i32
    %while3A_14 = arith.constant 1 : i32
    scf.for %while3A_21 = %while3A_7 to %while3A_13 step %while3A_14  : i32 {
      "tpu.region"() ({
        %run_scoped3A = tpu.sem_alloc : memref<!tpu.dma_semaphore, #tpu.memory_space<semaphore_mem>>
        %dma_start3A = arith.constant 0 : i32
        %dma_start3A_22 = tpu.memref_slice %arg7[%while3A_21, %dma_start3A] : memref<99x128xi32, #tpu.memory_space<vmem>> -> memref<1x128xi32, #tpu.memory_space<vmem>>
        %dma_start3A_23 = tpu.memref_squeeze %dma_start3A_22 : memref<1x128xi32, #tpu.memory_space<vmem>> -> memref<128xi32, #tpu.memory_space<vmem>>
        %dma_start3A_24 = arith.constant 0 : i32
        %dma_start3A_25 = arith.constant 0 : i32
        %dma_start3A_26 = tpu.memref_slice %arg2[%dma_start3A_24, %dma_start3A_25] : memref<10000x128xf32, #tpu.memory_space<hbm>> -> memref<10000x128xf32, #tpu.memory_space<hbm>>
        tpu.enqueue_indirect_dma source(%dma_start3A_26 : memref<10000x128xf32, #tpu.memory_space<hbm>>) target(%arg9 : memref<128x128xf32, #tpu.memory_space<vmem>>) offsets(%dma_start3A_23 : memref<128xi32, #tpu.memory_space<vmem>>) semaphore(%run_scoped3A : memref<!tpu.dma_semaphore, #tpu.memory_space<semaphore_mem>>)
        %dma_wait3A = arith.constant 0 : i32
        %dma_wait3A_27 = tpu.memref_slice %arg7[%while3A_21, %dma_wait3A] : memref<99x128xi32, #tpu.memory_space<vmem>> -> memref<1x128xi32, #tpu.memory_space<vmem>>
        %dma_wait3A_28 = tpu.memref_squeeze %dma_wait3A_27 : memref<1x128xi32, #tpu.memory_space<vmem>> -> memref<128xi32, #tpu.memory_space<vmem>>
        %dma_wait3A_29 = arith.constant 0 : i32
        %dma_wait3A_30 = arith.constant 0 : i32
        %dma_wait3A_31 = tpu.memref_slice %arg2[%dma_wait3A_29, %dma_wait3A_30] : memref<10000x128xf32, #tpu.memory_space<hbm>> -> memref<10000x128xf32, #tpu.memory_space<hbm>>
        tpu.wait_indirect_dma semaphore(%run_scoped3A : memref<!tpu.dma_semaphore, #tpu.memory_space<semaphore_mem>>) src(%dma_wait3A_31 : memref<10000x128xf32, #tpu.memory_space<hbm>>) dst(%arg9 : memref<128x128xf32, #tpu.memory_space<vmem>>)
        tpu.yield
      }) : () -> ()
      "tpu.region"() ({
        %run_scoped3A = tpu.sem_alloc : memref<!tpu.dma_semaphore, #tpu.memory_space<semaphore_mem>>
        %dma_start3A = arith.constant 0 : i32
        %dma_start3A_22 = tpu.memref_slice %arg8[%while3A_21, %dma_start3A] : memref<99x128xi32, #tpu.memory_space<vmem>> -> memref<1x128xi32, #tpu.memory_space<vmem>>
        %dma_start3A_23 = tpu.memref_squeeze %dma_start3A_22 : memref<1x128xi32, #tpu.memory_space<vmem>> -> memref<128xi32, #tpu.memory_space<vmem>>
        %dma_start3A_24 = arith.constant 0 : i32
        %dma_start3A_25 = arith.constant 0 : i32
        %dma_start3A_26 = tpu.memref_slice %arg10[%dma_start3A_24, %dma_start3A_25] : memref<10112x128xf32, #tpu.memory_space<vmem_shared>> -> memref<10112x128xf32, #tpu.memory_space<vmem_shared>>
        tpu.enqueue_indirect_dma source(%arg9 : memref<128x128xf32, #tpu.memory_space<vmem>>) target(%dma_start3A_26 : memref<10112x128xf32, #tpu.memory_space<vmem_shared>>) offsets(%dma_start3A_23 : memref<128xi32, #tpu.memory_space<vmem>>) semaphore(%run_scoped3A : memref<!tpu.dma_semaphore, #tpu.memory_space<semaphore_mem>>) {add = true}
        %dma_wait3A = arith.constant 0 : i32
        %dma_wait3A_27 = tpu.memref_slice %arg8[%while3A_21, %dma_wait3A] : memref<99x128xi32, #tpu.memory_space<vmem>> -> memref<1x128xi32, #tpu.memory_space<vmem>>
        %dma_wait3A_28 = tpu.memref_squeeze %dma_wait3A_27 : memref<1x128xi32, #tpu.memory_space<vmem>> -> memref<128xi32, #tpu.memory_space<vmem>>
        %dma_wait3A_29 = arith.constant 0 : i32
        %dma_wait3A_30 = arith.constant 0 : i32
        %dma_wait3A_31 = tpu.memref_slice %arg10[%dma_wait3A_29, %dma_wait3A_30] : memref<10112x128xf32, #tpu.memory_space<vmem_shared>> -> memref<10112x128xf32, #tpu.memory_space<vmem_shared>>
        tpu.wait_indirect_dma semaphore(%run_scoped3A : memref<!tpu.dma_semaphore, #tpu.memory_space<semaphore_mem>>) src(%arg9 : memref<128x128xf32, #tpu.memory_space<vmem>>) dst(%dma_wait3A_31 : memref<10112x128xf32, #tpu.memory_space<vmem_shared>>)
        tpu.yield
      }) : () -> ()
    }
    %while3A_15 = arith.constant 1 : i32
    scf.for %while3A_21 = %while3A_13 to %while3A_9 step %while3A_15  : i32 {
      "tpu.region"() ({
        %run_scoped3A = tpu.sem_alloc : memref<!tpu.dma_semaphore, #tpu.memory_space<semaphore_mem>>
        %dma_start3A = arith.constant 0 : i32
        %dma_start3A_22 = tpu.memref_slice %arg7[%while3A_21, %dma_start3A] : memref<99x128xi32, #tpu.memory_space<vmem>> -> memref<1x128xi32, #tpu.memory_space<vmem>>
        %dma_start3A_23 = tpu.memref_squeeze %dma_start3A_22 : memref<1x128xi32, #tpu.memory_space<vmem>> -> memref<128xi32, #tpu.memory_space<vmem>>
        %dma_start3A_24 = arith.constant 0 : i32
        %dma_start3A_25 = arith.constant 0 : i32
        %dma_start3A_26 = tpu.memref_slice %arg2[%dma_start3A_24, %dma_start3A_25] : memref<10000x128xf32, #tpu.memory_space<hbm>> -> memref<10000x128xf32, #tpu.memory_space<hbm>>
        tpu.enqueue_indirect_dma source(%dma_start3A_26 : memref<10000x128xf32, #tpu.memory_space<hbm>>) target(%arg9 : memref<128x128xf32, #tpu.memory_space<vmem>>) offsets(%dma_start3A_23 : memref<128xi32, #tpu.memory_space<vmem>>) semaphore(%run_scoped3A : memref<!tpu.dma_semaphore, #tpu.memory_space<semaphore_mem>>)
        %dma_wait3A = arith.constant 0 : i32
        %dma_wait3A_27 = tpu.memref_slice %arg7[%while3A_21, %dma_wait3A] : memref<99x128xi32, #tpu.memory_space<vmem>> -> memref<1x128xi32, #tpu.memory_space<vmem>>
        %dma_wait3A_28 = tpu.memref_squeeze %dma_wait3A_27 : memref<1x128xi32, #tpu.memory_space<vmem>> -> memref<128xi32, #tpu.memory_space<vmem>>
        %dma_wait3A_29 = arith.constant 0 : i32
        %dma_wait3A_30 = arith.constant 0 : i32
        %dma_wait3A_31 = tpu.memref_slice %arg2[%dma_wait3A_29, %dma_wait3A_30] : memref<10000x128xf32, #tpu.memory_space<hbm>> -> memref<10000x128xf32, #tpu.memory_space<hbm>>
        tpu.wait_indirect_dma semaphore(%run_scoped3A : memref<!tpu.dma_semaphore, #tpu.memory_space<semaphore_mem>>) src(%dma_wait3A_31 : memref<10000x128xf32, #tpu.memory_space<hbm>>) dst(%arg9 : memref<128x128xf32, #tpu.memory_space<vmem>>)
        tpu.yield
      }) : () -> ()
      "tpu.region"() ({
        %run_scoped3A = tpu.sem_alloc : memref<!tpu.dma_semaphore, #tpu.memory_space<semaphore_mem>>
        %dma_start3A = arith.constant 0 : i32
        %dma_start3A_22 = tpu.memref_slice %arg8[%while3A_21, %dma_start3A] : memref<99x128xi32, #tpu.memory_space<vmem>> -> memref<1x128xi32, #tpu.memory_space<vmem>>
        %dma_start3A_23 = tpu.memref_squeeze %dma_start3A_22 : memref<1x128xi32, #tpu.memory_space<vmem>> -> memref<128xi32, #tpu.memory_space<vmem>>
        %dma_start3A_24 = arith.constant 0 : i32
        %dma_start3A_25 = arith.constant 0 : i32
        %dma_start3A_26 = tpu.memref_slice %arg10[%dma_start3A_24, %dma_start3A_25] : memref<10112x128xf32, #tpu.memory_space<vmem_shared>> -> memref<10112x128xf32, #tpu.memory_space<vmem_shared>>
        tpu.enqueue_indirect_dma source(%arg9 : memref<128x128xf32, #tpu.memory_space<vmem>>) target(%dma_start3A_26 : memref<10112x128xf32, #tpu.memory_space<vmem_shared>>) offsets(%dma_start3A_23 : memref<128xi32, #tpu.memory_space<vmem>>) semaphore(%run_scoped3A : memref<!tpu.dma_semaphore, #tpu.memory_space<semaphore_mem>>) {add = true}
        %dma_wait3A = arith.constant 0 : i32
        %dma_wait3A_27 = tpu.memref_slice %arg8[%while3A_21, %dma_wait3A] : memref<99x128xi32, #tpu.memory_space<vmem>> -> memref<1x128xi32, #tpu.memory_space<vmem>>
        %dma_wait3A_28 = tpu.memref_squeeze %dma_wait3A_27 : memref<1x128xi32, #tpu.memory_space<vmem>> -> memref<128xi32, #tpu.memory_space<vmem>>
        %dma_wait3A_29 = arith.constant 0 : i32
        %dma_wait3A_30 = arith.constant 0 : i32
        %dma_wait3A_31 = tpu.memref_slice %arg10[%dma_wait3A_29, %dma_wait3A_30] : memref<10112x128xf32, #tpu.memory_space<vmem_shared>> -> memref<10112x128xf32, #tpu.memory_space<vmem_shared>>
        tpu.wait_indirect_dma semaphore(%run_scoped3A : memref<!tpu.dma_semaphore, #tpu.memory_space<semaphore_mem>>) src(%arg9 : memref<128x128xf32, #tpu.memory_space<vmem>>) dst(%dma_wait3A_31 : memref<10112x128xf32, #tpu.memory_space<vmem_shared>>)
        tpu.yield
      }) : () -> ()
    }
    %barrier3A_16 = arith.constant 0 : index
    tpu.barrier barrier_id(%barrier3A_16)
    %mul3A_17 = arith.constant 632 : i32
    %mul3A_18 = arith.muli %arg1, %mul3A_17 : i32
    %mul3A_19 = arith.constant 632 : i32
    %mul3A_20 = arith.muli %arg1, %mul3A_19 : i32
    "tpu.region"() ({
      %run_scoped3A = tpu.sem_alloc : memref<!tpu.dma_semaphore, #tpu.memory_space<semaphore_mem>>
      %dma_start3A = arith.constant 0 : i32
      %dma_start3A_21 = tpu.memref_slice %arg6[%arg0, %mul3A_20, %dma_start3A] : memref<2x10112x128xf32, #tpu.memory_space<hbm>> -> memref<1x632x128xf32, #tpu.memory_space<hbm>>
      %dma_start3A_22 = tpu.memref_squeeze %dma_start3A_21 : memref<1x632x128xf32, #tpu.memory_space<hbm>> -> memref<632x128xf32, #tpu.memory_space<hbm>>
      %dma_start3A_23 = arith.constant 0 : i32
      %dma_start3A_24 = tpu.memref_slice %arg10[%mul3A_18, %dma_start3A_23] : memref<10112x128xf32, #tpu.memory_space<vmem_shared>> -> memref<632x128xf32, #tpu.memory_space<vmem_shared>>
      tpu.enqueue_dma source(%dma_start3A_24 : memref<632x128xf32, #tpu.memory_space<vmem_shared>>) target(%dma_start3A_22 : memref<632x128xf32, #tpu.memory_space<hbm>>) target_semaphore(%run_scoped3A : memref<!tpu.dma_semaphore, #tpu.memory_space<semaphore_mem>>)
      %dma_wait3A = arith.constant 0 : i32
      %dma_wait3A_25 = tpu.memref_slice %arg6[%arg0, %mul3A_20, %dma_wait3A] : memref<2x10112x128xf32, #tpu.memory_space<hbm>> -> memref<1x632x128xf32, #tpu.memory_space<hbm>>
      %dma_wait3A_26 = tpu.memref_squeeze %dma_wait3A_25 : memref<1x632x128xf32, #tpu.memory_space<hbm>> -> memref<632x128xf32, #tpu.memory_space<hbm>>
      %dma_wait3A_27 = arith.constant 0 : i32
      %dma_wait3A_28 = tpu.memref_slice %arg10[%mul3A_18, %dma_wait3A_27] : memref<10112x128xf32, #tpu.memory_space<vmem_shared>> -> memref<632x128xf32, #tpu.memory_space<vmem_shared>>
      tpu.wait_dma2 semaphore(%run_scoped3A : memref<!tpu.dma_semaphore, #tpu.memory_space<semaphore_mem>>) src(%dma_wait3A_28 : memref<632x128xf32, #tpu.memory_space<vmem_shared>>) dst(%dma_wait3A_26 : memref<632x128xf32, #tpu.memory_space<hbm>>)
      tpu.yield
    }) : () -> ()
    return
  }
}

module attributes {stable_mosaic.version = 14 : i64} {
  func.func @body(%arg0: memref<10000x128xf32, #tpu.memory_space<vmem>>, %arg1: memref<128x128xf32, #tpu.memory_space<vmem>>, %arg2: memref<2x10112x16xf32, #tpu.memory_space<vmem>>, %arg3: memref<10000x128xf32, #tpu.memory_space<vmem>>, %arg4: memref<10000x1xf32, #tpu.memory_space<vmem>>) attributes {dimension_semantics = [], scalar_prefetch = 0 : i64, scratch_operands = 0 : i64, tpu.core_type = #tpu.core_type<tc>} {
    %get3A = arith.constant 0 : index
    %get3A_0 = arith.constant 0 : index
    %get3A_1 = arith.constant 0 : index
    %get3A_2 = vector.load %arg2[%get3A, %get3A_0, %get3A_1] : memref<2x10112x16xf32, #tpu.memory_space<vmem>>, vector<1x10000x1xf32>
    %get3A_3 = vector.shape_cast %get3A_2 : vector<1x10000x1xf32> to vector<10000x1xf32>
    %get3A_4 = arith.constant 1 : index
    %get3A_5 = arith.constant 0 : index
    %get3A_6 = arith.constant 0 : index
    %get3A_7 = vector.load %arg2[%get3A_4, %get3A_5, %get3A_6] : memref<2x10112x16xf32, #tpu.memory_space<vmem>>, vector<1x10000x1xf32>
    %get3A_8 = vector.shape_cast %get3A_7 : vector<1x10000x1xf32> to vector<10000x1xf32>
    %add3A = arith.addf %get3A_3, %get3A_8 : vector<10000x1xf32>
    %add3A_9 = arith.constant 1.000000e+00 : f32
    %add3A_10 = vector.broadcast %add3A_9 : f32 to vector<10000x1xf32>
    %add3A_11 = arith.addf %add3A, %add3A_10 : vector<10000x1xf32>
    %rsqrt3A = math.rsqrt %add3A_11 : vector<10000x1xf32>
    %get3A_12 = arith.constant 0 : index
    %get3A_13 = arith.constant 0 : index
    %get3A_14 = vector.load %arg0[%get3A_12, %get3A_13] : memref<10000x128xf32, #tpu.memory_space<vmem>>, vector<10000x128xf32>
    %get3A_15 = arith.constant 0 : index
    %get3A_16 = arith.constant 0 : index
    %get3A_17 = vector.load %arg1[%get3A_15, %get3A_16] : memref<128x128xf32, #tpu.memory_space<vmem>>, vector<128x128xf32>
    %dot_general3A = arith.constant dense<0.000000e+00> : vector<10000x128xf32>
    %dot_general3A_18 = tpu.matmul %get3A_14, %get3A_17, %dot_general3A {dimension_numbers = #tpu.dot_dimension_numbers<[1], [0], [0], [1], [0, 0, 1, 1], [], []>, transpose_lhs_hint = false} : vector<10000x128xf32>, vector<128x128xf32>, vector<10000x128xf32> -> vector<10000x128xf32>
    %mul3A = vector.broadcast %rsqrt3A : vector<10000x1xf32> to vector<10000x128xf32>
    %mul3A_19 = arith.mulf %dot_general3A_18, %mul3A : vector<10000x128xf32>
    %swap3A = arith.constant 0 : index
    %swap3A_20 = arith.constant 0 : index
    %swap3A_21 = vector.load %arg3[%swap3A, %swap3A_20] : memref<10000x128xf32, #tpu.memory_space<vmem>>, vector<10000x128xf32>
    tpu.vector_store %arg3[%swap3A, %swap3A_20], %mul3A_19 {strides = array<i32>} : memref<10000x128xf32, #tpu.memory_space<vmem>>, vector<10000x128xf32>,
    %swap3A_22 = arith.constant 0 : index
    %swap3A_23 = arith.constant 0 : index
    %swap3A_24 = vector.load %arg4[%swap3A_22, %swap3A_23] : memref<10000x1xf32, #tpu.memory_space<vmem>>, vector<10000x1xf32>
    tpu.vector_store %arg4[%swap3A_22, %swap3A_23], %rsqrt3A {strides = array<i32>} : memref<10000x1xf32, #tpu.memory_space<vmem>>, vector<10000x1xf32>,
    return
  }
}

module attributes {stable_mosaic.version = 14 : i64} {
  func.func @body(%arg0: memref<2x10112x128xf32, #tpu.memory_space<vmem>>, %arg1: memref<10000x128xf32, #tpu.memory_space<vmem>>, %arg2: memref<10000x1xf32, #tpu.memory_space<vmem>>, %arg3: memref<10000x128xf32, #tpu.memory_space<vmem>>, %arg4: memref<128x40xf32, #tpu.memory_space<vmem>>, %arg5: memref<1x128xf32, #tpu.memory_space<vmem>>, %arg6: memref<10000x40xf32, #tpu.memory_space<vmem>>) attributes {dimension_semantics = [], scalar_prefetch = 0 : i64, scratch_operands = 0 : i64, tpu.core_type = #tpu.core_type<tc>} {
    %get3A = arith.constant 0 : index
    %get3A_0 = arith.constant 0 : index
    %get3A_1 = arith.constant 0 : index
    %get3A_2 = vector.load %arg0[%get3A, %get3A_0, %get3A_1] : memref<2x10112x128xf32, #tpu.memory_space<vmem>>, vector<1x10000x128xf32>
    %get3A_3 = vector.shape_cast %get3A_2 : vector<1x10000x128xf32> to vector<10000x128xf32>
    %get3A_4 = arith.constant 1 : index
    %get3A_5 = arith.constant 0 : index
    %get3A_6 = arith.constant 0 : index
    %get3A_7 = vector.load %arg0[%get3A_4, %get3A_5, %get3A_6] : memref<2x10112x128xf32, #tpu.memory_space<vmem>>, vector<1x10000x128xf32>
    %get3A_8 = vector.shape_cast %get3A_7 : vector<1x10000x128xf32> to vector<10000x128xf32>
    %add3A = arith.addf %get3A_3, %get3A_8 : vector<10000x128xf32>
    %get3A_9 = arith.constant 0 : index
    %get3A_10 = arith.constant 0 : index
    %get3A_11 = vector.load %arg1[%get3A_9, %get3A_10] : memref<10000x128xf32, #tpu.memory_space<vmem>>, vector<10000x128xf32>
    %add3A_12 = arith.addf %add3A, %get3A_11 : vector<10000x128xf32>
    %get3A_13 = arith.constant 0 : index
    %get3A_14 = arith.constant 0 : index
    %get3A_15 = vector.load %arg2[%get3A_13, %get3A_14] : memref<10000x1xf32, #tpu.memory_space<vmem>>, vector<10000x1xf32>
    %mul3A = vector.broadcast %get3A_15 : vector<10000x1xf32> to vector<10000x128xf32>
    %mul3A_16 = arith.mulf %add3A_12, %mul3A : vector<10000x128xf32>
    %get3A_17 = arith.constant 0 : index
    %get3A_18 = arith.constant 0 : index
    %get3A_19 = vector.load %arg5[%get3A_17, %get3A_18] : memref<1x128xf32, #tpu.memory_space<vmem>>, vector<1x128xf32>
    %add3A_20 = vector.broadcast %get3A_19 : vector<1x128xf32> to vector<10000x128xf32>
    %add3A_21 = arith.addf %mul3A_16, %add3A_20 : vector<10000x128xf32>
    %max3A = arith.constant 0.000000e+00 : f32
    %max3A_22 = vector.broadcast %max3A : f32 to vector<10000x128xf32>
    %max3A_23 = arith.maximumf %add3A_21, %max3A_22 : vector<10000x128xf32>
    %get3A_24 = arith.constant 0 : index
    %get3A_25 = arith.constant 0 : index
    %get3A_26 = vector.load %arg3[%get3A_24, %get3A_25] : memref<10000x128xf32, #tpu.memory_space<vmem>>, vector<10000x128xf32>
    %mul3A_27 = arith.mulf %max3A_23, %get3A_26 : vector<10000x128xf32>
    %get3A_28 = arith.constant 0 : index
    %get3A_29 = arith.constant 0 : index
    %get3A_30 = vector.load %arg4[%get3A_28, %get3A_29] : memref<128x40xf32, #tpu.memory_space<vmem>>, vector<128x40xf32>
    %dot_general3A = arith.constant dense<0.000000e+00> : vector<10000x40xf32>
    %dot_general3A_31 = tpu.matmul %mul3A_27, %get3A_30, %dot_general3A {dimension_numbers = #tpu.dot_dimension_numbers<[1], [0], [0], [1], [0, 0, 1, 1], [], []>, transpose_lhs_hint = false} : vector<10000x128xf32>, vector<128x40xf32>, vector<10000x40xf32> -> vector<10000x40xf32>
    %get3A_32 = arith.constant 0 : index
    %get3A_33 = arith.constant 0 : index
    %get3A_34 = vector.load %arg2[%get3A_32, %get3A_33] : memref<10000x1xf32, #tpu.memory_space<vmem>>, vector<10000x1xf32>
    %mul3A_35 = vector.broadcast %get3A_34 : vector<10000x1xf32> to vector<10000x40xf32>
    %mul3A_36 = arith.mulf %dot_general3A_31, %mul3A_35 : vector<10000x40xf32>
    %swap3A = arith.constant 0 : index
    %swap3A_37 = arith.constant 0 : index
    %swap3A_38 = vector.load %arg6[%swap3A, %swap3A_37] : memref<10000x40xf32, #tpu.memory_space<vmem>>, vector<10000x40xf32>
    tpu.vector_store %arg6[%swap3A, %swap3A_37], %mul3A_36 {strides = array<i32>} : memref<10000x40xf32, #tpu.memory_space<vmem>>, vector<10000x40xf32>,
    return
  }
}

module attributes {stable_mosaic.version = 14 : i64} {
  func.func @body(%arg0: memref<2x10112x40xf32, #tpu.memory_space<vmem>>, %arg1: memref<10000x40xf32, #tpu.memory_space<vmem>>, %arg2: memref<10000x1xf32, #tpu.memory_space<vmem>>, %arg3: memref<1x40xf32, #tpu.memory_space<vmem>>, %arg4: memref<10000x40xf32, #tpu.memory_space<vmem>>) attributes {dimension_semantics = [], scalar_prefetch = 0 : i64, scratch_operands = 0 : i64, tpu.core_type = #tpu.core_type<tc>} {
    %get3A = arith.constant 0 : index
    %get3A_0 = arith.constant 0 : index
    %get3A_1 = arith.constant 0 : index
    %get3A_2 = vector.load %arg0[%get3A, %get3A_0, %get3A_1] : memref<2x10112x40xf32, #tpu.memory_space<vmem>>, vector<1x10000x40xf32>
    %get3A_3 = vector.shape_cast %get3A_2 : vector<1x10000x40xf32> to vector<10000x40xf32>
    %get3A_4 = arith.constant 1 : index
    %get3A_5 = arith.constant 0 : index
    %get3A_6 = arith.constant 0 : index
    %get3A_7 = vector.load %arg0[%get3A_4, %get3A_5, %get3A_6] : memref<2x10112x40xf32, #tpu.memory_space<vmem>>, vector<1x10000x40xf32>
    %get3A_8 = vector.shape_cast %get3A_7 : vector<1x10000x40xf32> to vector<10000x40xf32>
    %add3A = arith.addf %get3A_3, %get3A_8 : vector<10000x40xf32>
    %get3A_9 = arith.constant 0 : index
    %get3A_10 = arith.constant 0 : index
    %get3A_11 = vector.load %arg1[%get3A_9, %get3A_10] : memref<10000x40xf32, #tpu.memory_space<vmem>>, vector<10000x40xf32>
    %add3A_12 = arith.addf %add3A, %get3A_11 : vector<10000x40xf32>
    %get3A_13 = arith.constant 0 : index
    %get3A_14 = arith.constant 0 : index
    %get3A_15 = vector.load %arg2[%get3A_13, %get3A_14] : memref<10000x1xf32, #tpu.memory_space<vmem>>, vector<10000x1xf32>
    %mul3A = vector.broadcast %get3A_15 : vector<10000x1xf32> to vector<10000x40xf32>
    %mul3A_16 = arith.mulf %add3A_12, %mul3A : vector<10000x40xf32>
    %get3A_17 = arith.constant 0 : index
    %get3A_18 = arith.constant 0 : index
    %get3A_19 = vector.load %arg3[%get3A_17, %get3A_18] : memref<1x40xf32, #tpu.memory_space<vmem>>, vector<1x40xf32>
    %add3A_20 = vector.broadcast %get3A_19 : vector<1x40xf32> to vector<10000x40xf32>
    %add3A_21 = arith.addf %mul3A_16, %add3A_20 : vector<10000x40xf32>
    %swap3A = arith.constant 0 : index
    %swap3A_22 = arith.constant 0 : index
    %swap3A_23 = vector.load %arg4[%swap3A, %swap3A_22] : memref<10000x40xf32, #tpu.memory_space<vmem>>, vector<10000x40xf32>
    tpu.vector_store %arg4[%swap3A, %swap3A_22], %add3A_21 {strides = array<i32>} : memref<10000x40xf32, #tpu.memory_space<vmem>>, vector<10000x40xf32>,
    return
  }
}

</mosaic_0001>

<sc_bundles>
// kernel: kernel.11.cloned.1.call-start
scs
__scs_entry_jumppad:
0x0: {  	(pc) =	sbr.rel $0x88, $3  }
0x1: {  	(tag) =	ssettag $0x0;
	lr =	simm.s32 $0x1  }
0x2: {  	[smem:$0x3F9B] =	sst lr;
	_ =	strace $0xD0000000  }
0x3: {  	_ = 	snop  }
0x4: {  	_ = 	snop  }
0x5: {  	_ = 	snop  }
0x6: {  	_ = 	snop  }
0x7: {  	_ = 	snop  }
__scs_overlays_trampoline_lowered:
0x8: {  	[smem:$0x3FAA] =	sst s0  }
0x9: {  	[smem:$0x3FAB] =	sst s1  }
0xa: {  	[smem:$0x3FAC] =	sst s2  }
0xb: {  	[smem:$0x3FAD] =	sst s3  }
0xc: {  	[smem:$0x3FAE] =	sst s4  }
0xd: {  	[smem:$0x3FAF] =	sst s5  }
0xe: {  	[smem:$0x3FB0] =	sst s6  }
0xf: {  	[smem:$0x3FB1] =	sst s7  }
0x10: {  	[smem:$0x3FB2] =	sst s8  }
0x11: {  	[smem:$0x3FB3] =	sst s9;
	s0 =	simm.s32 @!p0 $0x0  }
0x12: {  	s1 =	sld [smem:$0x3F99];
	s0 =	simm.s32 @p0 $0x1  }
0x13: {  	[smem:$0x3FB4] =	sst s0;
	s0 =	simm.s32 @!p1 $0x0  }
0x14: {  	s2 =	sld [smem:$0x3F98];
	s0 =	simm.s32 @p1 $0x1  }
0x15: {  	[smem:$0x3FB5] =	sst s0;
	s0 =	simm.s32 @!p2 $0x0  }
0x16: {  	s3 =	sld [smem:$0x3FDB];
	s0 =	simm.s32 @p2 $0x1  }
0x17: {  	s4 =	simm.s32 $0x1BF5;
	[smem:$0x3FB7] =	sst s0  }
0x18: {  	s0 =	sld [smem:$0x3F9A];
	_ =	swait.ge [sflag:s4], $0x0  }
0x19: {  	s7 =	sld [smem:$0x3F9B]  }
0x1a: {  	s8 =	sadd.s32 $0xFFFFE003, lr  }
0x1b: {  	s9 =	sadd.s32 $0xFFFFFEF7, lr;
	s5 =	simm.s32 $0xFFFFFFFF;
	p2 =	slt.u32 s8, $0xFFFFF086  }
0x1c: {  	p1 =	slt.u32 s9, $0xF7A;
	s5 =	simm.s32 @!p2 $0x0  }
0x1d: {  	s5 =	simm.s32 @p1 $0x1;
	p0 =	seq.s32 s7, s2  }
0x1e: {  	s7 =	smul.u32 @!p0 $0xF7A, s2;
	p2 =	seq.s32 @!p0 s5, $0x0  }
0x1f: {  	s9 =	smul.u32 $0xF7A, s1;
	s8 =	simm.s32 @!p0 $0x1BF5;
	p2 =	por !p2, p0  }
0x20: {  	[sflag:s8] =	ssyncset.s32 @!p0 $0xFFFFF086;
	s6 =	sadd.s32 @!p0 s3, s7;
	s7 =	simm.s32 @!p0 $0x108  }
0x21: {  	s3 =	sadd.s32 s3, s9;
	s6 =	sadd.s32 @!p0 $0x88, s6;
	s7 =	simm.s32 @p2 $0x1082  }
0x22: {  	[simem:s7], [sflag:s8] =	dma.local @!p0 [hbm:s6], $0xF7A  }
0x23: {  	s9 =	sor.u32 $0xD0000000, s2;
	s6 =	simm.s32 $0x108;
	_ =	swait.ge @!p0 [sflag:s8], $0x0  }
0x24: {  	s3 =	sadd.s32 $0x88, s3;
	s6 =	simm.s32 @!p1 $0x1082;
	[sflag:s4] =	ssyncset.s32 $0xFFFFF086  }
0x25: {  	[simem:s6], [sflag:s4] =	dma.local [hbm:s3], $0xF7A  }
0x26: {  	[smem:$0x3F9B] =	sst s1;
	(tag) =	ssettag s2;
	_ =	strace s9  }
0x27: {  	s1 =	sld [smem:$0x3FAB]  }
0x28: {  	s2 =	sld [smem:$0x3FAC]  }
0x29: {  	s4 =	sld [smem:$0x3FAE]  }
0x2a: {  	p0 =	seq.s32 s5, $0x0;
	s5 =	sld [smem:$0x3FAF]  }
0x2b: {  	s6 =	sld [smem:$0x3FB0]  }
0x2c: {  	s7 =	sld [smem:$0x3FB1]  }
0x2d: {  	s3 =	simm.s32 $0x108;
	s8 =	sld [smem:$0x3FB2]  }
0x2e: {  	s3 =	simm.s32 @!p0 $0x1082;
	s9 =	sld [smem:$0x3FB3]  }
0x2f: {  	lr =	sadd.s32 s0, s3;
	s0 =	sld [smem:$0x3FAA]  }
0x30: {  	s3 =	sld [smem:$0x3FAD]  }
0x31: {  	[smem:$0x3FB6] =	sst s10  }
0x32: {  	s10 =	sld [smem:$0x3FB4];
	_ =	sdelay $0x3  }
0x33: {  	p0 =	seq.s32 s10, $0x1;
	s10 =	sld [smem:$0x3FB6];
	_ =	sdelay $0x3  }
0x34: {  	[smem:$0x3FB6] =	sst s10  }
0x35: {  	s10 =	sld [smem:$0x3FB5];
	_ =	sdelay $0x3  }
0x36: {  	p1 =	seq.s32 s10, $0x1;
	s10 =	sld [smem:$0x3FB6];
	_ =	sdelay $0x3  }
0x37: {  	[smem:$0x3FB6] =	sst s10  }
0x38: {  	s10 =	sld [smem:$0x3FB7]  }
0x39: {  	_ = 	snop;
	(pc) =	sbr.ind lr, $3  }
0x3a: {  	_ = 	snop  }
0x3b: {  	_ = 	snop  }
0x3c: {  	p2 =	seq.s32 s10, $0x1;
	s10 =	sld [smem:$0x3FB6]  }
0x3d: {  	_ =	shalt  }
0x3e: {  	_ =	shalt  }
0x3f: {  	_ =	shalt  }
0x40: {  	_ =	shalt  }
0x41: {  	_ =	shalt  }
0x42: {  	_ =	shalt  }
0x43: {  	_ =	shalt  }
0x44: {  	_ =	shalt  }
0x45: {  	_ =	shalt  }
0x46: {  	_ =	shalt  }
0x47: {  	_ =	shalt  }
0x48: {  	_ =	shalt  }
0x49: {  	_ =	shalt  }
0x4a: {  	_ =	shalt  }
0x4b: {  	_ =	shalt  }
0x4c: {  	_ =	shalt  }
0x4d: {  	_ =	shalt  }
0x4e: {  	_ =	shalt  }
0x4f: {  	_ =	shalt  }
0x50: {  	_ =	shalt  }
0x51: {  	_ =	shalt  }
0x52: {  	_ =	shalt  }
0x53: {  	_ =	shalt  }
0x54: {  	_ =	shalt  }
0x55: {  	_ =	shalt  }
0x56: {  	_ =	shalt  }
0x57: {  	_ =	shalt  }
0x58: {  	_ =	shalt  }
0x59: {  	_ =	shalt  }
0x5a: {  	_ =	shalt  }
0x5b: {  	_ =	shalt  }
0x5c: {  	_ =	shalt  }
0x5d: {  	_ =	shalt  }
0x5e: {  	_ =	shalt  }
0x5f: {  	_ =	shalt  }
0x60: {  	_ =	shalt  }
0x61: {  	_ =	shalt  }
0x62: {  	_ =	shalt  }
0x63: {  	_ =	shalt  }
0x64: {  	_ =	shalt  }
0x65: {  	_ =	shalt  }
0x66: {  	_ =	shalt  }
0x67: {  	_ =	shalt  }
0x68: {  	_ =	shalt  }
0x69: {  	_ =	shalt  }
0x6a: {  	_ =	shalt  }
0x6b: {  	_ =	shalt  }
0x6c: {  	_ =	shalt  }
0x6d: {  	_ =	shalt  }
0x6e: {  	_ =	shalt  }
0x6f: {  	_ =	shalt  }
0x70: {  	_ =	shalt  }
0x71: {  	_ =	shalt  }
0x72: {  	_ =	shalt  }
0x73: {  	_ =	shalt  }
0x74: {  	_ =	shalt  }
0x75: {  	_ =	shalt  }
0x76: {  	_ =	shalt  }
0x77: {  	_ =	shalt  }
0x78: {  	_ =	shalt  }
0x79: {  	_ =	shalt  }
0x7a: {  	_ =	shalt  }
0x7b: {  	_ =	shalt  }
0x7c: {  	_ =	shalt  }
0x7d: {  	_ =	shalt  }
0x7e: {  	_ =	shalt  }
0x7f: {  	_ =	shalt  }
0x80: {  	_ =	shalt  }
0x81: {  	_ =	shalt  }
0x82: {  	_ =	shalt  }
0x83: {  	_ =	shalt  }
0x84: {  	_ =	shalt  }
0x85: {  	_ =	shalt  }
0x86: {  	_ =	shalt  }
0x87: {  	_ =	shalt  }
.Lfunc_end0:
.L_simem_size_0:
called_computation.1_lowered:
.L_overlay_start_0:
0x88: {  	s2 =	sld [smem:$0x3FD9]  }
0x89: {  	s3 =	sld [smem:$0x3FFE];
	_ =	sdelay $0x1  }
0x8a: {  	s1 =	srdreg.scid  }
0x8b: {  	s0 =	sand.u32 $0x1, s1  }
0x8c: {  	s16 =	sshll.u32 s0, $0xA;
	s2 =	sadd.s32 s3, s2  }
0x8d: {  	s2 =	sadd.s32 s2, s16  }
0x8e: {  	[smem:$0x3FC2] =	sst s2  }
0x8f: {  	_ = 	snop  }
0x90: {  	(tm) =	ssettm $0x1  }
0x91: {  	s17 =	sld [smem:$0x3FFB];
	_ =	sdelay $0x3  }
0x92: {  	_ =	strace s17  }
0x93: {  	s2 =	sld [smem:$0x3FFC];
	_ =	sdelay $0x3  }
0x94: {  	_ =	strace s2  }
0x95: {  	s2 =	sld [smem:$0x3FFD];
	_ =	sdelay $0x3  }
0x96: {  	_ =	strace s2  }
0x97: {  	_ =	strace $0x8FFFFFFF  }
0x98: {  	s18 =	sld [smem:$0x3FDB];
	_ =	sdelay $0x1  }
0x99: {  	s19 =	simm.s32 $_scs_section_size  }
0x9a: {  	s4 =	simm.s32 $_size__tile_overlayer_lowered;
	s5 =	simm.s32 $_tile_overlayer_lowered  }
0x9b: {  	s22 =	simm.s32 $0x1BFF;
	s21 =	sshll.u32 s5, $0x1;
	s2 =	sadd.s32 s19, s18  }
0x9c: {  	s6 =	simm.s32 $0x0;
	s20 =	sshll.u32 s4, $0x1;
	s4 =	sadd.s32 s21, s2  }
0x9d: {  	[timem:s6], [sflag:s22] =	dma.local [hbm:s4], s20  }
0x9e: {  	_ =	swait.ge [sflag:s22], s20  }
0x9f: {  	s3 =	ssub.s32 $0x0, s20;
	[sflag:s22] =	ssyncset.done $0x0  }
0xa0: {  	[sflag:s22] =	ssyncadd.s32 s3;
	_ =	sdelay $0x1  }
0xa1: {  	s23 =	simm.s32 $0x1B8B  }
0xa2: {  	_ =	swait.ge [sflag:s23], $0x1  }
0xa3: {  	[sflag:s23] =	ssyncset.done $0x0  }
0xa4: {  	s25 =	simm.s32 $0x1B8E;
	s24 =	sld [smem:$0x3FFE];
	[sflag:s23] =	ssyncadd.s32 $0xFFFFFFFF  }
0xa5: {  	s26 =	simm.s32 $execute0_lowered;
	[smem:$0x3FD2] =	sst s25  }
0xa6: {  	s4 =	sshll.u32 s26, $0x1;
	_ =	strace $0x80000049;
	[dreg:$0x1] =	wrdreg $0xFFFFFFFF  }
0xa7: {  	s28 =	simm.s32 $_size_execute0_lowered;
	s2 =	sadd.s32 s2, s4;
	[dreg:$0x0] =	wrdreg $0x0  }
0xa8: {  	s4 =	sshll.u32 s28, $0x1;
	[dreg:$0x2] =	wrdreg s2  }
0xa9: {  	[dreg:$0x3] =	wrdreg s4  }
0xaa: {  	[dreg:$0x4] =	wrdreg $0xC0  }
0xab: {  	_ =	task [dreg:s6], $0x5FFFF  }
0xac: {  	[dreg:$0x1] =	wrdreg $0xFFFFFFFF  }
0xad: {  	[dreg:$0x0] =	wrdreg $0x60  }
0xae: {  	[dreg:$0x2] =	wrdreg s24  }
0xaf: {  	[dreg:$0x3] =	wrdreg $0xA8000  }
0xb0: {  	[dreg:$0x4] =	wrdreg $0x9  }
0xb1: {  	_ =	task.clear_ibuf [dreg:s6], $0x5FFFF;
	_ =	strace $0x90000049  }
0xb2: {  	s29 =	simm.s32 $0x9;
	_ =	strace $0x8000004B  }
0xb3: {  	_ =	swait.ge [sflag:s29], $0x1  }
0xb4: {  	[sflag:s29] =	ssyncadd.s32 $0xFFFFFFFF  }
0xb5: {  	_ =	strace $0x9000004B  }
0xb6: {  	_ =	sfence  }
0xb7: {  	s30 =	sld [smem:$0x0];
	_ =	sdelay $0x2  }
0xb8: {  	s31 =	sshll.u32 s1, $0xD;
	s1 =	sshrl.u32 s1, $0x2  }
0xb9: {  	s3 =	sand.u32 $0x4000, s31;
	s1 =	sadd.s32 s1, s30  }
0xba: {  	s0 =	sor.u32 s3, s0;
	s1 =	sshll.u32 s1, $0x11  }
0xbb: {  	s0 =	sor.u32 s1, s0  }
0xbc: {  	s0 =	sadd.s32 $0x8F2B, s0  }
0xbd: {  	[sflag:s0] =	ssyncadd.remote.s32 $0x1  }
0xbe: {  	_ =	sfence.sel $0xFFFF  }
0xbf: {  	[dreg:$0x0] =	wrdreg $0xFFFFFFFF;
	(pc) =	sbr.abs _section_cstart, $3  }
0xc0: {  	[dreg:$0x1] =	wrdreg $0xFFFFFFFF  }
0xc1: {  	_ =	task.clear_ibuf [dreg:s6], $0x2FFFF;
	_ =	strace $0x9FFFFFFF  }
0xc2: {  	(tm) =	ssettm $0x7FFFFFFF  }
0xc3: {  	_ =	shalt  }
tec
execute0_lowered:
.L_overlay_start_1:
0x0: {  	(tag) =	ssettag $0x1  }
0x1: {  	s6 =	rddreg [dreg:$0x0]  }
0x2: {  	s0 =	srdreg.scid;
	s2 =	rddreg [dreg:$0x1]  }
0x3: {  	s3 =	simm.s32 $0x0;
	s14 =	simm.s32 $0x80;
	s15 =	simm.s32 $0x6800  }
0x4: {  	s16 =	simm.s32 $0x0;
	s5 =	sand.u32 $0x1, s0;
	s0 =	stileid.u32  }
0x5: {  	[smem:$0x7FF] =	sst s3;
	s4 =	sadd.s32 $0x2CC00, s6;
	s8 =	smul.u32 $0x13C00, s0  }
0x6: {  	s1 =	sshll.u32 s5, $0x4;
	s9 =	smul.u32 $0x13C000, s5;
	s26 =	ssub.s32 $0x2, s5  }
0x7: {  	s29 =	smul.u32 $0x4F000, s0;
	p0 =	seq.s32 s5, $0x0;
	s5 =	simm.s32 $0x63  }
0x8: {  	s31 =	sshll.u32 s0, $0x6;
	s1 =	sor.u32 s0, s1;
	s28 =	sshrl.u32 s26, $0x1  }
0x9: {  	s5 =	simm.s32 @!p0 $0x3A;
	s7 =	smul.u32 $0x680, s1;
	s1 =	rddreg [dreg:$0x2]  }
0xa: {  	_ =	strace $0x8000004A;
	s25 =	sshrl.u32 s8, $0x3;
	s8 =	sadd.s32 s8, s9  }
0xb: {  	s12 =	ssub.s32 s26, s28;
	s30 =	sshrl.u32 s29, $0x2;
	s8 =	sshrl.u32 s8, $0x3  }
0xc: {  	s13 =	sadd.s32 s30, s2;
	s10 =	sadd.s32 s7, s6;
	s7 =	sadd.s32 s25, s6  }
0xd: {  	s11 =	sadd.s32 s8, s6;
	s6 =	sadd.s32 $0x53E00, s7;
	s7 =	sor.u32 $0x1C01, s31  }
0xe: {  	s8 =	sadd.s32 $0x1FC00, s10;
	s9 =	sadd.s32 $0x1400, s10;
	s10 =	sadd.s32 $0x7B600, s11  }
0xf: {  	s11 =	smax.u32 s12, $0x1;
	s12 =	sshrl.u32 s13, $0x3;
	s13 =	simm.s32 $0x1  }
.LBB2_1:
0x10: {  	[spmem:s12], [sflag:s7] =	dma.local [hbm:s6], $0x2780  }
0x11: {  	_ =	swait.ge [sflag:s13], $0x2780  }
0x12: {  	[sflag:s13] =	ssyncset.done $0x0  }
0x13: {  	[sflag:s13] =	ssyncadd.s32 $0xFFFFD880  }
0x14: {  	[bflag:$0x0] =	sbarrier.arrive $0xFFFF  }
0x15: {  	[tilespmem:s3], [sflag:$0x1] =	stream.linear.gather [hbm4b:s8+s3], $0x3180, $0x38;
	[tilespmem:$0x1E400] =	vst v63  }
0x16: {  	_ =	swait.ge [sflag:s13], $0x3180  }
0x17: {  	[sflag:s13] =	ssyncset.done $0x0  }
0x18: {  	s17 =	simm.s32 $0x3400;
	[sflag:s13] =	ssyncadd.s32 $0xFFFFCE80  }
0x19: {  	[tilespmem:s17], [sflag:$0x1] =	stream.linear.gather [hbm4b:s9+s3], $0x3180, $0x38;
	[tilespmem:$0x1E400] =	vst v63  }
0x1a: {  	_ =	swait.ge [sflag:s13], $0x3180  }
0x1b: {  	[sflag:s13] =	ssyncset.done $0x0  }
0x1c: {  	[sflag:s13] =	ssyncadd.s32 $0xFFFFCE80  }
0x1d: {  	[tilespmem:s15], [sflag:$0x1] =	stream.indirect.gather [hbm4b:s4+s14], $0x80, s3, s14, $0xb8;
	[tilespmem:$0x1E400] =	vst v63  }
0x1e: {  	p0 =	sne.s32 s5, $0x1;
	_ =	swait.ge [sflag:s13], $0x4000  }
.Ltmp0:
0x1f: {  	[sflag:s13] =	ssyncset.done $0x0;
	(pc) =	sbr.rel @!p0 .LBB2_3-.Ltmp0, $4  }
0x20: {  	[sflag:s13] =	ssyncadd.s32 $0xFFFFC000  }
0x21: {  	[spmem:s2] =	stream.indirect.scatter.add.f32 [tilespmem:s15], [sflag:$0x1], $0x80, s17, s14, $0xb8;
	[tilespmem:$0x1E400] =	vst v63  }
0x22: {  	_ =	swait.ge [sflag:s13], $0x4000  }
0x23: {  	s18 =	sadd.s32 $0xFFFFFFFF, s5;
	s19 =	simm.s32 $0x0;
	[sflag:s13] =	ssyncset.done $0x0  }
.LBB2_2:
0x24: {  	[sflag:s13] =	ssyncadd.s32 $0xFFFFC000;
	s19 =	sadd.s32 $0x80, s19;
	s17 =	sadd.s32 $0x80, s17  }
0x25: {  	[tilespmem:s15], [sflag:$0x1] =	stream.indirect.gather [hbm4b:s4+s14], $0x80, s19, s14, $0xb8;
	[tilespmem:$0x1E400] =	vst v63  }
0x26: {  	p0 =	sne.s32 s18, $0x1;
	s18 =	sadd.s32 $0xFFFFFFFF, s18;
	_ =	swait.ge [sflag:s13], $0x4000  }
.Ltmp1:
0x27: {  	[sflag:s13] =	ssyncset.done $0x0;
	(pc) =	sbr.rel @p0 .LBB2_2-.Ltmp1, $4  }
0x28: {  	[sflag:s13] =	ssyncadd.s32 $0xFFFFC000  }
0x29: {  	[spmem:s2] =	stream.indirect.scatter.add.f32 [tilespmem:s15], [sflag:$0x1], $0x80, s17, s14, $0xb8;
	[tilespmem:$0x1E400] =	vst v63  }
0x2a: {  	_ =	swait.ge [sflag:s13], $0x4000  }
0x2b: {  	[sflag:s13] =	ssyncset.done $0x0  }
.LBB2_3:
0x2c: {  	s16 =	sadd.s32 $0x1, s16  }
0x2d: {  	[sflag:s13] =	ssyncadd.s32 $0xFFFFC000;
	p0 =	sne.s32 s16, s11  }
.Ltmp2:
0x2e: {  	[bflag:$0x0] =	sbarrier.arrive $0xFFFF;
	(pc) =	sbr.rel @p0 .LBB2_1-.Ltmp2, $4  }
0x2f: {  	[hbm:s10], [sflag:s7] =	dma.local [spmem:s12], $0x2780  }
0x30: {  	_ =	swait.ge [sflag:s13], $0x2780  }
0x31: {  	[sflag:s13] =	ssyncset.done $0x0  }
0x32: {  	[sflag:s13] =	ssyncadd.s32 $0xFFFFD880  }
0x33: {  	_ =	sfence.sel $0x180000  }
0x34: {  	[bflag:$0x0] =	sbarrier.arrive $0xFFFF  }
0x35: {  	p0 =	sne.s32 s0, $0x0;
	_ =	strace $0x9000004A  }
0x36: {  	s0 =	sadd.s32 @!p0 $0x100000, s1;
	[bflag:$0x2] =	sbarrier.arrive $0xFFFF  }
0x37: {  	[sflag:s0] =	ssyncadd.tile.s32 @!p0 $0x1;
	_ =	shalt  }
.Lfunc_end2:
_tile_overlayer_lowered:
.L_overlay_start_2:
0x38: {  	(tag) =	ssettag $0x2  }
0x39: {  	s0 =	rddreg [dreg:$0x0];
	s2 =	stileid.u32  }
0x3a: {  	s1 =	rddreg [dreg:$0x1];
	p0 =	sne.s32 s2, $0x0  }
0x3b: {  	s3 =	rddreg [dreg:$0x2];
	[bflag:$0x3] =	sbarrier.arrive $0xFFFF;
	s2 =	simm.s32 @!p0 $0x1C01  }
0x3c: {  	[timem:s3], [sflag:s2] =	dma.local @!p0 [hbm:s0], s1  }
0x3d: {  	s0 =	simm.s32 @!p0 $0x1  }
0x3e: {  	_ =	swait.ge @!p0 [sflag:s0], s1  }
0x3f: {  	s1 =	ssub.s32 @!p0 $0x0, s1;
	[sflag:s0] =	ssyncset.done @!p0 $0x0  }
0x40: {  	[sflag:s0] =	ssyncadd.s32 @!p0 s1  }
0x41: {  	[bflag:$0x3] =	sbarrier.arrive $0xFFFF  }
0x42: {  	_ =	shalt  }

// kernel: kernel.14.cloned.1.call-start
scs
__scs_entry_jumppad:
0x0: {  	(pc) =	sbr.rel $0x88, $3  }
0x1: {  	(tag) =	ssettag $0x0;
	lr =	simm.s32 $0x1  }
0x2: {  	[smem:$0x3F9B] =	sst lr;
	_ =	strace $0xD0000000  }
0x3: {  	_ = 	snop  }
0x4: {  	_ = 	snop  }
0x5: {  	_ = 	snop  }
0x6: {  	_ = 	snop  }
0x7: {  	_ = 	snop  }
__scs_overlays_trampoline_lowered:
0x8: {  	[smem:$0x3FAA] =	sst s0  }
0x9: {  	[smem:$0x3FAB] =	sst s1  }
0xa: {  	[smem:$0x3FAC] =	sst s2  }
0xb: {  	[smem:$0x3FAD] =	sst s3  }
0xc: {  	[smem:$0x3FAE] =	sst s4  }
0xd: {  	[smem:$0x3FAF] =	sst s5  }
0xe: {  	[smem:$0x3FB0] =	sst s6  }
0xf: {  	[smem:$0x3FB1] =	sst s7  }
0x10: {  	[smem:$0x3FB2] =	sst s8  }
0x11: {  	[smem:$0x3FB3] =	sst s9;
	s0 =	simm.s32 @!p0 $0x0  }
0x12: {  	s1 =	sld [smem:$0x3F99];
	s0 =	simm.s32 @p0 $0x1  }
0x13: {  	[smem:$0x3FB4] =	sst s0;
	s0 =	simm.s32 @!p1 $0x0  }
0x14: {  	s2 =	sld [smem:$0x3F98];
	s0 =	simm.s32 @p1 $0x1  }
0x15: {  	[smem:$0x3FB5] =	sst s0;
	s0 =	simm.s32 @!p2 $0x0  }
0x16: {  	s3 =	sld [smem:$0x3FDB];
	s0 =	simm.s32 @p2 $0x1  }
0x17: {  	s4 =	simm.s32 $0x1BF5;
	[smem:$0x3FB7] =	sst s0  }
0x18: {  	s0 =	sld [smem:$0x3F9A];
	_ =	swait.ge [sflag:s4], $0x0  }
0x19: {  	s7 =	sld [smem:$0x3F9B]  }
0x1a: {  	s8 =	sadd.s32 $0xFFFFE003, lr  }
0x1b: {  	s9 =	sadd.s32 $0xFFFFFEF7, lr;
	s5 =	simm.s32 $0xFFFFFFFF;
	p2 =	slt.u32 s8, $0xFFFFF086  }
0x1c: {  	p1 =	slt.u32 s9, $0xF7A;
	s5 =	simm.s32 @!p2 $0x0  }
0x1d: {  	s5 =	simm.s32 @p1 $0x1;
	p0 =	seq.s32 s7, s2  }
0x1e: {  	s7 =	smul.u32 @!p0 $0xF7A, s2;
	p2 =	seq.s32 @!p0 s5, $0x0  }
0x1f: {  	s9 =	smul.u32 $0xF7A, s1;
	s8 =	simm.s32 @!p0 $0x1BF5;
	p2 =	por !p2, p0  }
0x20: {  	[sflag:s8] =	ssyncset.s32 @!p0 $0xFFFFF086;
	s6 =	sadd.s32 @!p0 s3, s7;
	s7 =	simm.s32 @!p0 $0x108  }
0x21: {  	s3 =	sadd.s32 s3, s9;
	s6 =	sadd.s32 @!p0 $0x88, s6;
	s7 =	simm.s32 @p2 $0x1082  }
0x22: {  	[simem:s7], [sflag:s8] =	dma.local @!p0 [hbm:s6], $0xF7A  }
0x23: {  	s9 =	sor.u32 $0xD0000000, s2;
	s6 =	simm.s32 $0x108;
	_ =	swait.ge @!p0 [sflag:s8], $0x0  }
0x24: {  	s3 =	sadd.s32 $0x88, s3;
	s6 =	simm.s32 @!p1 $0x1082;
	[sflag:s4] =	ssyncset.s32 $0xFFFFF086  }
0x25: {  	[simem:s6], [sflag:s4] =	dma.local [hbm:s3], $0xF7A  }
0x26: {  	[smem:$0x3F9B] =	sst s1;
	(tag) =	ssettag s2;
	_ =	strace s9  }
0x27: {  	s1 =	sld [smem:$0x3FAB]  }
0x28: {  	s2 =	sld [smem:$0x3FAC]  }
0x29: {  	s4 =	sld [smem:$0x3FAE]  }
0x2a: {  	p0 =	seq.s32 s5, $0x0;
	s5 =	sld [smem:$0x3FAF]  }
0x2b: {  	s6 =	sld [smem:$0x3FB0]  }
0x2c: {  	s7 =	sld [smem:$0x3FB1]  }
0x2d: {  	s3 =	simm.s32 $0x108;
	s8 =	sld [smem:$0x3FB2]  }
0x2e: {  	s3 =	simm.s32 @!p0 $0x1082;
	s9 =	sld [smem:$0x3FB3]  }
0x2f: {  	lr =	sadd.s32 s0, s3;
	s0 =	sld [smem:$0x3FAA]  }
0x30: {  	s3 =	sld [smem:$0x3FAD]  }
0x31: {  	[smem:$0x3FB6] =	sst s10  }
0x32: {  	s10 =	sld [smem:$0x3FB4];
	_ =	sdelay $0x3  }
0x33: {  	p0 =	seq.s32 s10, $0x1;
	s10 =	sld [smem:$0x3FB6];
	_ =	sdelay $0x3  }
0x34: {  	[smem:$0x3FB6] =	sst s10  }
0x35: {  	s10 =	sld [smem:$0x3FB5];
	_ =	sdelay $0x3  }
0x36: {  	p1 =	seq.s32 s10, $0x1;
	s10 =	sld [smem:$0x3FB6];
	_ =	sdelay $0x3  }
0x37: {  	[smem:$0x3FB6] =	sst s10  }
0x38: {  	s10 =	sld [smem:$0x3FB7]  }
0x39: {  	_ = 	snop;
	(pc) =	sbr.ind lr, $3  }
0x3a: {  	_ = 	snop  }
0x3b: {  	_ = 	snop  }
0x3c: {  	p2 =	seq.s32 s10, $0x1;
	s10 =	sld [smem:$0x3FB6]  }
0x3d: {  	_ =	shalt  }
0x3e: {  	_ =	shalt  }
0x3f: {  	_ =	shalt  }
0x40: {  	_ =	shalt  }
0x41: {  	_ =	shalt  }
0x42: {  	_ =	shalt  }
0x43: {  	_ =	shalt  }
0x44: {  	_ =	shalt  }
0x45: {  	_ =	shalt  }
0x46: {  	_ =	shalt  }
0x47: {  	_ =	shalt  }
0x48: {  	_ =	shalt  }
0x49: {  	_ =	shalt  }
0x4a: {  	_ =	shalt  }
0x4b: {  	_ =	shalt  }
0x4c: {  	_ =	shalt  }
0x4d: {  	_ =	shalt  }
0x4e: {  	_ =	shalt  }
0x4f: {  	_ =	shalt  }
0x50: {  	_ =	shalt  }
0x51: {  	_ =	shalt  }
0x52: {  	_ =	shalt  }
0x53: {  	_ =	shalt  }
0x54: {  	_ =	shalt  }
0x55: {  	_ =	shalt  }
0x56: {  	_ =	shalt  }
0x57: {  	_ =	shalt  }
0x58: {  	_ =	shalt  }
0x59: {  	_ =	shalt  }
0x5a: {  	_ =	shalt  }
0x5b: {  	_ =	shalt  }
0x5c: {  	_ =	shalt  }
0x5d: {  	_ =	shalt  }
0x5e: {  	_ =	shalt  }
0x5f: {  	_ =	shalt  }
0x60: {  	_ =	shalt  }
0x61: {  	_ =	shalt  }
0x62: {  	_ =	shalt  }
0x63: {  	_ =	shalt  }
0x64: {  	_ =	shalt  }
0x65: {  	_ =	shalt  }
0x66: {  	_ =	shalt  }
0x67: {  	_ =	shalt  }
0x68: {  	_ =	shalt  }
0x69: {  	_ =	shalt  }
0x6a: {  	_ =	shalt  }
0x6b: {  	_ =	shalt  }
0x6c: {  	_ =	shalt  }
0x6d: {  	_ =	shalt  }
0x6e: {  	_ =	shalt  }
0x6f: {  	_ =	shalt  }
0x70: {  	_ =	shalt  }
0x71: {  	_ =	shalt  }
0x72: {  	_ =	shalt  }
0x73: {  	_ =	shalt  }
0x74: {  	_ =	shalt  }
0x75: {  	_ =	shalt  }
0x76: {  	_ =	shalt  }
0x77: {  	_ =	shalt  }
0x78: {  	_ =	shalt  }
0x79: {  	_ =	shalt  }
0x7a: {  	_ =	shalt  }
0x7b: {  	_ =	shalt  }
0x7c: {  	_ =	shalt  }
0x7d: {  	_ =	shalt  }
0x7e: {  	_ =	shalt  }
0x7f: {  	_ =	shalt  }
0x80: {  	_ =	shalt  }
0x81: {  	_ =	shalt  }
0x82: {  	_ =	shalt  }
0x83: {  	_ =	shalt  }
0x84: {  	_ =	shalt  }
0x85: {  	_ =	shalt  }
0x86: {  	_ =	shalt  }
0x87: {  	_ =	shalt  }
.Lfunc_end0:
.L_simem_size_0:
called_computation.2_lowered:
.L_overlay_start_0:
0x88: {  	s2 =	sld [smem:$0x3FD9]  }
0x89: {  	s3 =	sld [smem:$0x3FFE];
	_ =	sdelay $0x1  }
0x8a: {  	s1 =	srdreg.scid  }
0x8b: {  	s0 =	sand.u32 $0x1, s1  }
0x8c: {  	s17 =	sshll.u32 s0, $0xA;
	s2 =	sadd.s32 s3, s2  }
0x8d: {  	s2 =	sadd.s32 s2, s17  }
0x8e: {  	[smem:$0x3FC2] =	sst s2  }
0x8f: {  	_ = 	snop  }
0x90: {  	s2 =	sld [smem:$0x3FD0];
	(tm) =	ssettm $0x1  }
0x91: {  	s18 =	sld [smem:$0x3FFB];
	_ =	sdelay $0x3  }
0x92: {  	_ =	strace s18  }
0x93: {  	s3 =	sld [smem:$0x3FFC];
	_ =	sdelay $0x3  }
0x94: {  	_ =	strace s3  }
0x95: {  	s3 =	sld [smem:$0x3FFD];
	_ =	sdelay $0x3  }
0x96: {  	_ =	strace s3  }
0x97: {  	_ =	strace $0x8FFFFFFF  }
0x98: {  	s19 =	sld [smem:$0x3FDB];
	_ =	sdelay $0x1  }
0x99: {  	s4 =	simm.s32 $_scs_section_size  }
0x9a: {  	s5 =	simm.s32 $_size__tile_overlayer_lowered;
	s6 =	simm.s32 $_tile_overlayer_lowered  }
0x9b: {  	s22 =	simm.s32 $0x1BFF;
	s21 =	sshll.u32 s6, $0x1;
	s3 =	sadd.s32 s4, s19  }
0x9c: {  	s7 =	simm.s32 $0x0;
	s20 =	sshll.u32 s5, $0x1;
	s5 =	sadd.s32 s21, s3  }
0x9d: {  	[timem:s7], [sflag:s22] =	dma.local [hbm:s5], s20  }
0x9e: {  	_ =	swait.ge [sflag:s22], s20  }
0x9f: {  	s4 =	ssub.s32 $0x0, s20;
	[sflag:s22] =	ssyncset.done $0x0  }
0xa0: {  	[sflag:s22] =	ssyncadd.s32 s4;
	_ =	sdelay $0x1  }
0xa1: {  	s23 =	simm.s32 $0x1B8B  }
0xa2: {  	_ =	swait.ge [sflag:s23], $0x1  }
0xa3: {  	[sflag:s23] =	ssyncset.done $0x0  }
0xa4: {  	s25 =	simm.s32 $0x1B8E;
	s24 =	sld [smem:$0x3FFE];
	[sflag:s23] =	ssyncadd.s32 $0xFFFFFFFF  }
0xa5: {  	s26 =	simm.s32 $execute0_lowered;
	[smem:$0x3FD2] =	sst s25  }
0xa6: {  	s5 =	sshll.u32 s26, $0x1;
	_ =	strace $0x8000004C;
	[dreg:$0x1] =	wrdreg $0xFFFFFFFF  }
0xa7: {  	s28 =	simm.s32 $_size_execute0_lowered;
	s3 =	sadd.s32 s3, s5;
	[dreg:$0x0] =	wrdreg $0x0  }
0xa8: {  	s5 =	sshll.u32 s28, $0x1;
	[dreg:$0x2] =	wrdreg s3  }
0xa9: {  	[dreg:$0x3] =	wrdreg s5  }
0xaa: {  	[dreg:$0x4] =	wrdreg $0xC0  }
0xab: {  	_ =	task [dreg:s7], $0x5FFFF  }
0xac: {  	[dreg:$0x1] =	wrdreg $0xFFFFFFFF  }
0xad: {  	[dreg:$0x0] =	wrdreg $0x60  }
0xae: {  	[dreg:$0x2] =	wrdreg s24  }
0xaf: {  	[dreg:$0x3] =	wrdreg s2  }
0xb0: {  	[dreg:$0x4] =	wrdreg $0x77000  }
0xb1: {  	[dreg:$0x5] =	wrdreg $0x9  }
0xb2: {  	_ =	task.clear_ibuf [dreg:s7], $0x6FFFF;
	_ =	strace $0x9000004C  }
0xb3: {  	s29 =	simm.s32 $0x9;
	_ =	strace $0x8000004E  }
0xb4: {  	_ =	swait.ge [sflag:s29], $0x1  }
0xb5: {  	[sflag:s29] =	ssyncadd.s32 $0xFFFFFFFF  }
0xb6: {  	_ =	strace $0x9000004E  }
0xb7: {  	_ =	sfence  }
0xb8: {  	s30 =	sld [smem:$0x0];
	_ =	sdelay $0x2  }
0xb9: {  	s31 =	sshll.u32 s1, $0xD;
	s1 =	sshrl.u32 s1, $0x2  }
0xba: {  	s3 =	sand.u32 $0x4000, s31;
	s1 =	sadd.s32 s1, s30  }
0xbb: {  	s0 =	sor.u32 s3, s0;
	s1 =	sshll.u32 s1, $0x11  }
0xbc: {  	s0 =	sor.u32 s1, s0  }
0xbd: {  	s0 =	sadd.s32 $0x8F2B, s0  }
0xbe: {  	[sflag:s0] =	ssyncadd.remote.s32 $0x1  }
0xbf: {  	_ =	sfence.sel $0xFFFF  }
0xc0: {  	[dreg:$0x0] =	wrdreg $0xFFFFFFFF;
	(pc) =	sbr.abs _section_cstart, $3  }
0xc1: {  	[dreg:$0x1] =	wrdreg $0xFFFFFFFF  }
0xc2: {  	_ =	task.clear_ibuf [dreg:s7], $0x2FFFF;
	_ =	strace $0x9FFFFFFF  }
0xc3: {  	(tm) =	ssettm $0x7FFFFFFF  }
tec
execute0_lowered:
.L_overlay_start_1:
0x0: {  	(tag) =	ssettag $0x1  }
0x1: {  	s5 =	rddreg [dreg:$0x0]  }
0x2: {  	s6 =	rddreg [dreg:$0x1]  }
0x3: {  	s2 =	rddreg [dreg:$0x2];
	s3 =	srdreg.scid  }
0x4: {  	s1 =	stileid.u32;
	s0 =	rddreg [dreg:$0x3];
	s14 =	simm.s32 $0x80  }
0x5: {  	s15 =	simm.s32 $0x6300;
	s16 =	simm.s32 $0x0;
	s7 =	sand.u32 $0x1, s3  }
0x6: {  	s8 =	smul.u32 $0x62C0, s1;
	s3 =	simm.s32 $0x0;
	s31 =	sshll.u32 s1, $0x6  }
0x7: {  	s4 =	sshll.u32 s7, $0x4;
	s9 =	smul.u32 $0x62C00, s7;
	[smem:$0x7FF] =	sst s3  }
0x8: {  	s11 =	ssub.s32 $0x2, s7;
	p0 =	seq.s32 s7, $0x0;
	s7 =	sor.u32 $0x1C01, s31  }
0x9: {  	s4 =	sor.u32 s1, s4;
	_ =	strace $0x8000004D;
	s29 =	sshrl.u32 s11, $0x1  }
0xa: {  	s30 =	sshrl.u32 s8, $0x3;
	s13 =	sadd.s32 s8, s2;
	s10 =	smul.u32 $0x630, s4  }
0xb: {  	s9 =	sadd.s32 s8, s9;
	s4 =	sadd.s32 $0x1400, s5;
	s11 =	ssub.s32 s11, s29  }
0xc: {  	s6 =	sadd.s32 s6, s30;
	s9 =	sshrl.u32 s9, $0x3;
	s11 =	smax.u32 s11, $0x1  }
0xd: {  	s10 =	sadd.s32 s10, s5;
	s12 =	sadd.s32 s9, s5;
	s5 =	simm.s32 $0x63  }
0xe: {  	s5 =	simm.s32 @!p0 $0x3A;
	s8 =	sadd.s32 $0xCA600, s10;
	s9 =	sadd.s32 $0xE400, s10  }
0xf: {  	s10 =	sadd.s32 $0x1AA00, s12;
	s12 =	sshrl.u32 s13, $0x3;
	s13 =	simm.s32 $0x1  }
.LBB2_1:
0x10: {  	[spmem:s12], [sflag:s7] =	dma.local [hbm:s6], $0xC58  }
0x11: {  	_ =	swait.ge [sflag:s13], $0xC58  }
0x12: {  	[sflag:s13] =	ssyncset.done $0x0  }
0x13: {  	[sflag:s13] =	ssyncadd.s32 $0xFFFFF3A8  }
0x14: {  	[bflag:$0x0] =	sbarrier.arrive $0xFFFF  }
0x15: {  	[tilespmem:s3], [sflag:$0x1] =	stream.linear.gather [hbm4b:s8+s3], $0x3180, $0x38;
	[tilespmem:$0xD9C0] =	vst v63  }
0x16: {  	_ =	swait.ge [sflag:s13], $0x3180  }
0x17: {  	[sflag:s13] =	ssyncset.done $0x0  }
0x18: {  	s17 =	simm.s32 $0x3180;
	[sflag:s13] =	ssyncadd.s32 $0xFFFFCE80  }
0x19: {  	[tilespmem:s17], [sflag:$0x1] =	stream.linear.gather [hbm4b:s9+s3], $0x3180, $0x38;
	[tilespmem:$0xD9C0] =	vst v63  }
0x1a: {  	_ =	swait.ge [sflag:s13], $0x3180  }
0x1b: {  	[sflag:s13] =	ssyncset.done $0x0  }
0x1c: {  	[sflag:s13] =	ssyncadd.s32 $0xFFFFCE80  }
0x1d: {  	[tilespmem:s15], [sflag:$0x1] =	stream.indirect.gather [hbm4b:s4+s14], $0x28, s3, s14, $0xb8;
	[tilespmem:$0xD9C0] =	vst v63  }
0x1e: {  	p0 =	sne.s32 s5, $0x1;
	_ =	swait.ge [sflag:s13], $0x1400  }
.Ltmp0:
0x1f: {  	[sflag:s13] =	ssyncset.done $0x0;
	(pc) =	sbr.rel @!p0 .LBB2_3-.Ltmp0, $4  }
0x20: {  	[sflag:s13] =	ssyncadd.s32 $0xFFFFEC00  }
0x21: {  	[spmem:s2] =	stream.indirect.scatter.add.f32 [tilespmem:s15], [sflag:$0x1], $0x28, s17, s14, $0xb8;
	[tilespmem:$0xD9C0] =	vst v63  }
0x22: {  	_ =	swait.ge [sflag:s13], $0x1400  }
0x23: {  	s18 =	sadd.s32 $0xFFFFFFFF, s5;
	s19 =	simm.s32 $0x0;
	[sflag:s13] =	ssyncset.done $0x0  }
.LBB2_2:
0x24: {  	[sflag:s13] =	ssyncadd.s32 $0xFFFFEC00;
	s19 =	sadd.s32 $0x80, s19;
	s17 =	sadd.s32 $0x80, s17  }
0x25: {  	[tilespmem:s15], [sflag:$0x1] =	stream.indirect.gather [hbm4b:s4+s14], $0x28, s19, s14, $0xb8;
	[tilespmem:$0xD9C0] =	vst v63  }
0x26: {  	p0 =	sne.s32 s18, $0x1;
	s18 =	sadd.s32 $0xFFFFFFFF, s18;
	_ =	swait.ge [sflag:s13], $0x1400  }
.Ltmp1:
0x27: {  	[sflag:s13] =	ssyncset.done $0x0;
	(pc) =	sbr.rel @p0 .LBB2_2-.Ltmp1, $4  }
0x28: {  	[sflag:s13] =	ssyncadd.s32 $0xFFFFEC00  }
0x29: {  	[spmem:s2] =	stream.indirect.scatter.add.f32 [tilespmem:s15], [sflag:$0x1], $0x28, s17, s14, $0xb8;
	[tilespmem:$0xD9C0] =	vst v63  }
0x2a: {  	_ =	swait.ge [sflag:s13], $0x1400  }
0x2b: {  	[sflag:s13] =	ssyncset.done $0x0  }
.LBB2_3:
0x2c: {  	s16 =	sadd.s32 $0x1, s16  }
0x2d: {  	[sflag:s13] =	ssyncadd.s32 $0xFFFFEC00;
	p0 =	sne.s32 s16, s11  }
.Ltmp2:
0x2e: {  	[bflag:$0x0] =	sbarrier.arrive $0xFFFF;
	(pc) =	sbr.rel @p0 .LBB2_1-.Ltmp2, $4  }
0x2f: {  	[hbm:s10], [sflag:s7] =	dma.local [spmem:s12], $0xC58  }
0x30: {  	_ =	swait.ge [sflag:s13], $0xC58  }
0x31: {  	[sflag:s13] =	ssyncset.done $0x0  }
0x32: {  	[sflag:s13] =	ssyncadd.s32 $0xFFFFF3A8  }
0x33: {  	_ =	sfence.sel $0x180000  }
0x34: {  	[bflag:$0x0] =	sbarrier.arrive $0xFFFF  }
0x35: {  	p0 =	sne.s32 s1, $0x0;
	_ =	strace $0x9000004D  }
0x36: {  	s0 =	sadd.s32 @!p0 $0x100000, s0;
	[bflag:$0x2] =	sbarrier.arrive $0xFFFF  }
0x37: {  	[sflag:s0] =	ssyncadd.tile.s32 @!p0 $0x1;
	_ =	shalt  }
.Lfunc_end2:
_tile_overlayer_lowered:
.L_overlay_start_2:
0x38: {  	(tag) =	ssettag $0x2  }
0x39: {  	s0 =	rddreg [dreg:$0x0];
	s2 =	stileid.u32  }
0x3a: {  	s1 =	rddreg [dreg:$0x1];
	p0 =	sne.s32 s2, $0x0  }
0x3b: {  	s3 =	rddreg [dreg:$0x2];
	[bflag:$0x3] =	sbarrier.arrive $0xFFFF;
	s2 =	simm.s32 @!p0 $0x1C01  }
0x3c: {  	[timem:s3], [sflag:s2] =	dma.local @!p0 [hbm:s0], s1  }
0x3d: {  	s0 =	simm.s32 @!p0 $0x1  }
0x3e: {  	_ =	swait.ge @!p0 [sflag:s0], s1  }
0x3f: {  	s1 =	ssub.s32 @!p0 $0x0, s1;
	[sflag:s0] =	ssyncset.done @!p0 $0x0  }
0x40: {  	[sflag:s0] =	ssyncadd.s32 @!p0 s1  }
0x41: {  	[bflag:$0x3] =	sbarrier.arrive $0xFFFF  }
0x42: {  	_ =	shalt  }

// kernel: kernel.8.cloned.1.call-start
scs
__scs_entry_jumppad:
0x0: {  	(pc) =	sbr.rel $0x88, $3  }
0x1: {  	(tag) =	ssettag $0x0;
	lr =	simm.s32 $0x1  }
0x2: {  	[smem:$0x3F9B] =	sst lr;
	_ =	strace $0xD0000000  }
0x3: {  	_ = 	snop  }
0x4: {  	_ = 	snop  }
0x5: {  	_ = 	snop  }
0x6: {  	_ = 	snop  }
0x7: {  	_ = 	snop  }
__scs_overlays_trampoline_lowered:
0x8: {  	[smem:$0x3FAA] =	sst s0  }
0x9: {  	[smem:$0x3FAB] =	sst s1  }
0xa: {  	[smem:$0x3FAC] =	sst s2  }
0xb: {  	[smem:$0x3FAD] =	sst s3  }
0xc: {  	[smem:$0x3FAE] =	sst s4  }
0xd: {  	[smem:$0x3FAF] =	sst s5  }
0xe: {  	[smem:$0x3FB0] =	sst s6  }
0xf: {  	[smem:$0x3FB1] =	sst s7  }
0x10: {  	[smem:$0x3FB2] =	sst s8  }
0x11: {  	[smem:$0x3FB3] =	sst s9;
	s0 =	simm.s32 @!p0 $0x0  }
0x12: {  	s1 =	sld [smem:$0x3F99];
	s0 =	simm.s32 @p0 $0x1  }
0x13: {  	[smem:$0x3FB4] =	sst s0;
	s0 =	simm.s32 @!p1 $0x0  }
0x14: {  	s2 =	sld [smem:$0x3F98];
	s0 =	simm.s32 @p1 $0x1  }
0x15: {  	[smem:$0x3FB5] =	sst s0;
	s0 =	simm.s32 @!p2 $0x0  }
0x16: {  	s3 =	sld [smem:$0x3FDB];
	s0 =	simm.s32 @p2 $0x1  }
0x17: {  	s4 =	simm.s32 $0x1BF5;
	[smem:$0x3FB7] =	sst s0  }
0x18: {  	s0 =	sld [smem:$0x3F9A];
	_ =	swait.ge [sflag:s4], $0x0  }
0x19: {  	s7 =	sld [smem:$0x3F9B]  }
0x1a: {  	s8 =	sadd.s32 $0xFFFFE003, lr  }
0x1b: {  	s9 =	sadd.s32 $0xFFFFFEF7, lr;
	s5 =	simm.s32 $0xFFFFFFFF;
	p2 =	slt.u32 s8, $0xFFFFF086  }
0x1c: {  	p1 =	slt.u32 s9, $0xF7A;
	s5 =	simm.s32 @!p2 $0x0  }
0x1d: {  	s5 =	simm.s32 @p1 $0x1;
	p0 =	seq.s32 s7, s2  }
0x1e: {  	s7 =	smul.u32 @!p0 $0xF7A, s2;
	p2 =	seq.s32 @!p0 s5, $0x0  }
0x1f: {  	s9 =	smul.u32 $0xF7A, s1;
	s8 =	simm.s32 @!p0 $0x1BF5;
	p2 =	por !p2, p0  }
0x20: {  	[sflag:s8] =	ssyncset.s32 @!p0 $0xFFFFF086;
	s6 =	sadd.s32 @!p0 s3, s7;
	s7 =	simm.s32 @!p0 $0x108  }
0x21: {  	s3 =	sadd.s32 s3, s9;
	s6 =	sadd.s32 @!p0 $0x88, s6;
	s7 =	simm.s32 @p2 $0x1082  }
0x22: {  	[simem:s7], [sflag:s8] =	dma.local @!p0 [hbm:s6], $0xF7A  }
0x23: {  	s9 =	sor.u32 $0xD0000000, s2;
	s6 =	simm.s32 $0x108;
	_ =	swait.ge @!p0 [sflag:s8], $0x0  }
0x24: {  	s3 =	sadd.s32 $0x88, s3;
	s6 =	simm.s32 @!p1 $0x1082;
	[sflag:s4] =	ssyncset.s32 $0xFFFFF086  }
0x25: {  	[simem:s6], [sflag:s4] =	dma.local [hbm:s3], $0xF7A  }
0x26: {  	[smem:$0x3F9B] =	sst s1;
	(tag) =	ssettag s2;
	_ =	strace s9  }
0x27: {  	s1 =	sld [smem:$0x3FAB]  }
0x28: {  	s2 =	sld [smem:$0x3FAC]  }
0x29: {  	s4 =	sld [smem:$0x3FAE]  }
0x2a: {  	p0 =	seq.s32 s5, $0x0;
	s5 =	sld [smem:$0x3FAF]  }
0x2b: {  	s6 =	sld [smem:$0x3FB0]  }
0x2c: {  	s7 =	sld [smem:$0x3FB1]  }
0x2d: {  	s3 =	simm.s32 $0x108;
	s8 =	sld [smem:$0x3FB2]  }
0x2e: {  	s3 =	simm.s32 @!p0 $0x1082;
	s9 =	sld [smem:$0x3FB3]  }
0x2f: {  	lr =	sadd.s32 s0, s3;
	s0 =	sld [smem:$0x3FAA]  }
0x30: {  	s3 =	sld [smem:$0x3FAD]  }
0x31: {  	[smem:$0x3FB6] =	sst s10  }
0x32: {  	s10 =	sld [smem:$0x3FB4];
	_ =	sdelay $0x3  }
0x33: {  	p0 =	seq.s32 s10, $0x1;
	s10 =	sld [smem:$0x3FB6];
	_ =	sdelay $0x3  }
0x34: {  	[smem:$0x3FB6] =	sst s10  }
0x35: {  	s10 =	sld [smem:$0x3FB5];
	_ =	sdelay $0x3  }
0x36: {  	p1 =	seq.s32 s10, $0x1;
	s10 =	sld [smem:$0x3FB6];
	_ =	sdelay $0x3  }
0x37: {  	[smem:$0x3FB6] =	sst s10  }
0x38: {  	s10 =	sld [smem:$0x3FB7]  }
0x39: {  	_ = 	snop;
	(pc) =	sbr.ind lr, $3  }
0x3a: {  	_ = 	snop  }
0x3b: {  	_ = 	snop  }
0x3c: {  	p2 =	seq.s32 s10, $0x1;
	s10 =	sld [smem:$0x3FB6]  }
0x3d: {  	_ =	shalt  }
0x3e: {  	_ =	shalt  }
0x3f: {  	_ =	shalt  }
0x40: {  	_ =	shalt  }
0x41: {  	_ =	shalt  }
0x42: {  	_ =	shalt  }
0x43: {  	_ =	shalt  }
0x44: {  	_ =	shalt  }
0x45: {  	_ =	shalt  }
0x46: {  	_ =	shalt  }
0x47: {  	_ =	shalt  }
0x48: {  	_ =	shalt  }
0x49: {  	_ =	shalt  }
0x4a: {  	_ =	shalt  }
0x4b: {  	_ =	shalt  }
0x4c: {  	_ =	shalt  }
0x4d: {  	_ =	shalt  }
0x4e: {  	_ =	shalt  }
0x4f: {  	_ =	shalt  }
0x50: {  	_ =	shalt  }
0x51: {  	_ =	shalt  }
0x52: {  	_ =	shalt  }
0x53: {  	_ =	shalt  }
0x54: {  	_ =	shalt  }
0x55: {  	_ =	shalt  }
0x56: {  	_ =	shalt  }
0x57: {  	_ =	shalt  }
0x58: {  	_ =	shalt  }
0x59: {  	_ =	shalt  }
0x5a: {  	_ =	shalt  }
0x5b: {  	_ =	shalt  }
0x5c: {  	_ =	shalt  }
0x5d: {  	_ =	shalt  }
0x5e: {  	_ =	shalt  }
0x5f: {  	_ =	shalt  }
0x60: {  	_ =	shalt  }
0x61: {  	_ =	shalt  }
0x62: {  	_ =	shalt  }
0x63: {  	_ =	shalt  }
0x64: {  	_ =	shalt  }
0x65: {  	_ =	shalt  }
0x66: {  	_ =	shalt  }
0x67: {  	_ =	shalt  }
0x68: {  	_ =	shalt  }
0x69: {  	_ =	shalt  }
0x6a: {  	_ =	shalt  }
0x6b: {  	_ =	shalt  }
0x6c: {  	_ =	shalt  }
0x6d: {  	_ =	shalt  }
0x6e: {  	_ =	shalt  }
0x6f: {  	_ =	shalt  }
0x70: {  	_ =	shalt  }
0x71: {  	_ =	shalt  }
0x72: {  	_ =	shalt  }
0x73: {  	_ =	shalt  }
0x74: {  	_ =	shalt  }
0x75: {  	_ =	shalt  }
0x76: {  	_ =	shalt  }
0x77: {  	_ =	shalt  }
0x78: {  	_ =	shalt  }
0x79: {  	_ =	shalt  }
0x7a: {  	_ =	shalt  }
0x7b: {  	_ =	shalt  }
0x7c: {  	_ =	shalt  }
0x7d: {  	_ =	shalt  }
0x7e: {  	_ =	shalt  }
0x7f: {  	_ =	shalt  }
0x80: {  	_ =	shalt  }
0x81: {  	_ =	shalt  }
0x82: {  	_ =	shalt  }
0x83: {  	_ =	shalt  }
0x84: {  	_ =	shalt  }
0x85: {  	_ =	shalt  }
0x86: {  	_ =	shalt  }
0x87: {  	_ =	shalt  }
.Lfunc_end0:
.L_simem_size_0:
called_computation_lowered:
.L_overlay_start_0:
0x88: {  	s2 =	sld [smem:$0x3FD9]  }
0x89: {  	s3 =	sld [smem:$0x3FFE];
	_ =	sdelay $0x1  }
0x8a: {  	s1 =	srdreg.scid  }
0x8b: {  	s0 =	sand.u32 $0x1, s1  }
0x8c: {  	s17 =	sshll.u32 s0, $0xA;
	s2 =	sadd.s32 s3, s2  }
0x8d: {  	s2 =	sadd.s32 s2, s17  }
0x8e: {  	[smem:$0x3FC2] =	sst s2  }
0x8f: {  	_ = 	snop  }
0x90: {  	s2 =	sld [smem:$0x3FD0];
	(tm) =	ssettm $0x1  }
0x91: {  	s18 =	sld [smem:$0x3FFB];
	_ =	sdelay $0x3  }
0x92: {  	_ =	strace s18  }
0x93: {  	s3 =	sld [smem:$0x3FFC];
	_ =	sdelay $0x3  }
0x94: {  	_ =	strace s3  }
0x95: {  	s3 =	sld [smem:$0x3FFD];
	_ =	sdelay $0x3  }
0x96: {  	_ =	strace s3  }
0x97: {  	_ =	strace $0x8FFFFFFF  }
0x98: {  	s19 =	sld [smem:$0x3FDB];
	_ =	sdelay $0x1  }
0x99: {  	s4 =	simm.s32 $_scs_section_size  }
0x9a: {  	s5 =	simm.s32 $_size__tile_overlayer_lowered;
	s6 =	simm.s32 $_tile_overlayer_lowered  }
0x9b: {  	s22 =	simm.s32 $0x1BFF;
	s21 =	sshll.u32 s6, $0x1;
	s3 =	sadd.s32 s4, s19  }
0x9c: {  	s7 =	simm.s32 $0x0;
	s20 =	sshll.u32 s5, $0x1;
	s5 =	sadd.s32 s21, s3  }
0x9d: {  	[timem:s7], [sflag:s22] =	dma.local [hbm:s5], s20  }
0x9e: {  	_ =	swait.ge [sflag:s22], s20  }
0x9f: {  	s4 =	ssub.s32 $0x0, s20;
	[sflag:s22] =	ssyncset.done $0x0  }
0xa0: {  	[sflag:s22] =	ssyncadd.s32 s4;
	_ =	sdelay $0x1  }
0xa1: {  	s23 =	simm.s32 $0x1B8B  }
0xa2: {  	_ =	swait.ge [sflag:s23], $0x1  }
0xa3: {  	[sflag:s23] =	ssyncset.done $0x0  }
0xa4: {  	s25 =	simm.s32 $0x1B8E;
	s24 =	sld [smem:$0x3FFE];
	[sflag:s23] =	ssyncadd.s32 $0xFFFFFFFF  }
0xa5: {  	s26 =	simm.s32 $execute0_lowered;
	[smem:$0x3FD2] =	sst s25  }
0xa6: {  	s5 =	sshll.u32 s26, $0x1;
	_ =	strace $0x80000046;
	[dreg:$0x1] =	wrdreg $0xFFFFFFFF  }
0xa7: {  	s28 =	simm.s32 $_size_execute0_lowered;
	s3 =	sadd.s32 s3, s5;
	[dreg:$0x0] =	wrdreg $0x0  }
0xa8: {  	s5 =	sshll.u32 s28, $0x1;
	[dreg:$0x2] =	wrdreg s3  }
0xa9: {  	[dreg:$0x3] =	wrdreg s5  }
0xaa: {  	[dreg:$0x4] =	wrdreg $0xC0  }
0xab: {  	_ =	task [dreg:s7], $0x5FFFF  }
0xac: {  	[dreg:$0x1] =	wrdreg $0xFFFFFFFF  }
0xad: {  	[dreg:$0x0] =	wrdreg $0x60  }
0xae: {  	[dreg:$0x2] =	wrdreg s24  }
0xaf: {  	[dreg:$0x3] =	wrdreg s2  }
0xb0: {  	[dreg:$0x4] =	wrdreg $0x39800  }
0xb1: {  	[dreg:$0x5] =	wrdreg $0x9  }
0xb2: {  	_ =	task.clear_ibuf [dreg:s7], $0x6FFFF;
	_ =	strace $0x90000046  }
0xb3: {  	s29 =	simm.s32 $0x9;
	_ =	strace $0x80000048  }
0xb4: {  	_ =	swait.ge [sflag:s29], $0x1  }
0xb5: {  	[sflag:s29] =	ssyncadd.s32 $0xFFFFFFFF  }
0xb6: {  	_ =	strace $0x90000048  }
0xb7: {  	_ =	sfence  }
0xb8: {  	s30 =	sld [smem:$0x0];
	_ =	sdelay $0x2  }
0xb9: {  	s31 =	sshll.u32 s1, $0xD;
	s1 =	sshrl.u32 s1, $0x2  }
0xba: {  	s3 =	sand.u32 $0x4000, s31;
	s1 =	sadd.s32 s1, s30  }
0xbb: {  	s0 =	sor.u32 s3, s0;
	s1 =	sshll.u32 s1, $0x11  }
0xbc: {  	s0 =	sor.u32 s1, s0  }
0xbd: {  	s0 =	sadd.s32 $0x8F2B, s0  }
0xbe: {  	[sflag:s0] =	ssyncadd.remote.s32 $0x1  }
0xbf: {  	_ =	sfence.sel $0xFFFF  }
0xc0: {  	[dreg:$0x0] =	wrdreg $0xFFFFFFFF;
	(pc) =	sbr.abs _section_cstart, $3  }
0xc1: {  	[dreg:$0x1] =	wrdreg $0xFFFFFFFF  }
0xc2: {  	_ =	task.clear_ibuf [dreg:s7], $0x2FFFF;
	_ =	strace $0x9FFFFFFF  }
0xc3: {  	(tm) =	ssettm $0x7FFFFFFF  }
tec
execute0_lowered:
.L_overlay_start_1:
0x0: {  	(tag) =	ssettag $0x1  }
0x1: {  	s5 =	rddreg [dreg:$0x0]  }
0x2: {  	s0 =	srdreg.scid;
	s8 =	rddreg [dreg:$0x1]  }
0x3: {  	s2 =	rddreg [dreg:$0x2];
	s3 =	simm.s32 $0x0;
	s14 =	simm.s32 $0x80  }
0x4: {  	s15 =	simm.s32 $0x0;
	s6 =	sand.u32 $0x1, s0;
	s0 =	stileid.u32  }
0x5: {  	[smem:$0x7FF] =	sst s3;
	s1 =	sshll.u32 s6, $0x4;
	s7 =	smul.u32 $0x2780, s0  }
0x6: {  	s11 =	ssub.s32 $0x2, s6;
	s12 =	smul.u32 $0x27800, s6;
	p0 =	seq.s32 s6, $0x0  }
0x7: {  	s31 =	sshll.u32 s0, $0x6;
	s4 =	sor.u32 s0, s1;
	s1 =	rddreg [dreg:$0x3]  }
0x8: {  	_ =	strace $0x80000047;
	s29 =	sshrl.u32 s11, $0x1;
	s4 =	smul.u32 $0x630, s4  }
0x9: {  	s10 =	sshrl.u32 s7, $0x3;
	s11 =	ssub.s32 s11, s29;
	s30 =	sadd.s32 s7, s12  }
0xa: {  	s13 =	sadd.s32 s7, s2;
	s12 =	sor.u32 $0x1C01, s31;
	s10 =	sadd.s32 s10, s5  }
0xb: {  	s13 =	sshrl.u32 s13, $0x3;
	s9 =	sadd.s32 s4, s5;
	s4 =	sadd.s32 $0x1AA00, s5  }
0xc: {  	s5 =	simm.s32 $0x63;
	s7 =	sadd.s32 $0x1AC00, s10;
	s10 =	simm.s32 $0x1  }
0xd: {  	s5 =	simm.s32 @!p0 $0x3A;
	s6 =	sadd.s32 $0xE400, s9;
	s9 =	sshrl.u32 s30, $0x3  }
0xe: {  	s8 =	sadd.s32 s8, s9;
	s9 =	smax.u32 s11, $0x1;
	s11 =	simm.s32 $0x3180  }
.LBB2_1:
0xf: {  	[tilespmem:s3], [sflag:$0x1] =	stream.linear.gather [hbm4b:s6+s3], $0x3180, $0x38;
	[tilespmem:$0x6100] =	vst v63  }
0x10: {  	_ =	swait.ge [sflag:s10], $0x3180  }
0x11: {  	[sflag:s10] =	ssyncset.done $0x0  }
0x12: {  	[sflag:s10] =	ssyncadd.s32 $0xFFFFCE80  }
0x13: {  	[tilespmem:s11], [sflag:$0x1] =	stream.linear.gather [hbm4b:s4+s3], $0x800, $0x38;
	[tilespmem:$0x6100] =	vst v63  }
0x14: {  	_ =	swait.ge [sflag:s10], $0x800  }
0x15: {  	[sflag:s10] =	ssyncset.done $0x0  }
0x16: {  	[sflag:s10] =	ssyncadd.s32 $0xFFFFF800  }
0x17: {  	[spmem:s13], [sflag:s12] =	dma.local [hbm:s7], $0x4F0  }
0x18: {  	_ =	swait.ge [sflag:s10], $0x4F0  }
0x19: {  	p0 =	sne.s32 s5, $0x1;
	[sflag:s10] =	ssyncset.done $0x0  }
.Ltmp0:
0x1a: {  	[sflag:s10] =	ssyncadd.s32 $0xFFFFFB10;
	(pc) =	sbr.rel @!p0 .LBB2_3-.Ltmp0, $4  }
0x1b: {  	[bflag:$0x0] =	sbarrier.arrive $0xFFFF  }
0x1c: {  	[spmem:s2] =	stream.indirect.scatter.add.f32 [tilespmem:s11], [sflag:$0x1], $0x10, s3, s14, $0xb8;
	[tilespmem:$0x6100] =	vst v63  }
0x1d: {  	_ =	swait.ge [sflag:s10], $0x800  }
0x1e: {  	s16 =	sadd.s32 $0xFFFFFFFF, s5;
	s17 =	simm.s32 $0x0;
	[sflag:s10] =	ssyncset.done $0x0  }
.LBB2_2:
0x1f: {  	p0 =	sne.s32 s16, $0x1;
	[sflag:s10] =	ssyncadd.s32 $0xFFFFF800;
	s17 =	sadd.s32 $0x80, s17  }
.Ltmp1:
0x20: {  	s16 =	sadd.s32 $0xFFFFFFFF, s16;
	(pc) =	sbr.rel @p0 .LBB2_2-.Ltmp1, $4  }
0x21: {  	_ = 	snop  }
0x22: {  	[spmem:s2] =	stream.indirect.scatter.add.f32 [tilespmem:s11], [sflag:$0x1], $0x10, s17, s14, $0xb8;
	[tilespmem:$0x6100] =	vst v63  }
0x23: {  	_ =	swait.ge [sflag:s10], $0x800  }
0x24: {  	[sflag:s10] =	ssyncset.done $0x0  }
.LBB2_3:
0x25: {  	s15 =	sadd.s32 $0x1, s15  }
0x26: {  	[sflag:s10] =	ssyncadd.s32 $0xFFFFF800;
	p0 =	sne.s32 s15, s9  }
.Ltmp2:
0x27: {  	[bflag:$0x0] =	sbarrier.arrive $0xFFFF;
	(pc) =	sbr.rel @p0 .LBB2_1-.Ltmp2, $4  }
0x28: {  	[hbm:s8], [sflag:s12] =	dma.local [spmem:s13], $0x4F0  }
0x29: {  	_ =	swait.ge [sflag:s10], $0x4F0  }
0x2a: {  	[sflag:s10] =	ssyncset.done $0x0  }
0x2b: {  	[sflag:s10] =	ssyncadd.s32 $0xFFFFFB10  }
0x2c: {  	_ =	sfence.sel $0x180000  }
0x2d: {  	[bflag:$0x0] =	sbarrier.arrive $0xFFFF  }
0x2e: {  	p0 =	sne.s32 s0, $0x0;
	_ =	strace $0x90000047  }
0x2f: {  	s0 =	sadd.s32 @!p0 $0x100000, s1;
	[bflag:$0x2] =	sbarrier.arrive $0xFFFF  }
0x30: {  	[sflag:s0] =	ssyncadd.tile.s32 @!p0 $0x1;
	_ =	shalt  }
.Lfunc_end2:
_tile_overlayer_lowered:
.L_overlay_start_2:
0x31: {  	(tag) =	ssettag $0x2  }
0x32: {  	s0 =	rddreg [dreg:$0x0];
	s2 =	stileid.u32  }
0x33: {  	s1 =	rddreg [dreg:$0x1];
	p0 =	sne.s32 s2, $0x0  }
0x34: {  	s3 =	rddreg [dreg:$0x2];
	[bflag:$0x3] =	sbarrier.arrive $0xFFFF;
	s2 =	simm.s32 @!p0 $0x1C01  }
0x35: {  	[timem:s3], [sflag:s2] =	dma.local @!p0 [hbm:s0], s1  }
0x36: {  	s0 =	simm.s32 @!p0 $0x1  }
0x37: {  	_ =	swait.ge @!p0 [sflag:s0], s1  }
0x38: {  	s1 =	ssub.s32 @!p0 $0x0, s1;
	[sflag:s0] =	ssyncset.done @!p0 $0x0  }
0x39: {  	[sflag:s0] =	ssyncadd.s32 @!p0 s1  }
0x3a: {  	[bflag:$0x3] =	sbarrier.arrive $0xFFFF  }
0x3b: {  	_ =	shalt  }

</sc_bundles>
